<compile_context>
chip_gen: v7x
topology: tpu7x:2x2x1
jax: 0.10.2.dev20260603
libtpu: 0.0.44.dev20260713+nightly
codegen_flags: <defaults>
</compile_context>

<pallas_src>
import functools

import jax
import jax.numpy as jnp
from jax import lax
from jax.experimental import pallas as pl
from jax.experimental.pallas import tpu as pltpu
from jax.experimental.pallas import tpu_sc as plsc

B = 16384
D = 64
NC = 2
NS = 16
NW = NC * NS
BPW = B // NW

_mesh = plsc.VectorSubcoreMesh(core_axis_name="c", subcore_axis_name="s")


@functools.partial(
    pl.kernel,
    mesh=_mesh,
    out_type=jax.ShapeDtypeStruct((B, 8, 2 * D), jnp.float32),
    scratch_types=[
        pltpu.VMEM((BPW,), jnp.int32),
        pltpu.VMEM((BPW,), jnp.int32),
        pltpu.VMEM((64, 8, 2 * D), jnp.float32),
        pltpu.SemaphoreType.DMA,
    ],
    compiler_params=pltpu.CompilerParams(use_tc_tiling_on_sc=True),
)
def _block_gather(idx_hbm, tab3_hbm, out_hbm, idx_v, idx16_v, buf, sem):
    wid = lax.axis_index("s") * NC + lax.axis_index("c")
    base = wid * BPW
    pltpu.sync_copy(idx_hbm.at[pl.ds(base, BPW)], idx_v)

    def shift_body(g, carry):
        idx16_v[pl.ds(g * 16, 16)] = lax.shift_right_logical(
            idx_v[pl.ds(g * 16, 16)], 4)
        return carry

    lax.fori_loop(0, BPW // 16, shift_body, 0)

    for k in range(BPW // 64):
        pltpu.async_copy(tab3_hbm.at[idx16_v.at[pl.ds(k * 64, 64)]],
                         buf, sem).wait()
        pltpu.sync_copy(buf, out_hbm.at[pl.ds(base + k * 64, 64)])


@functools.partial(
    pl.kernel,
    mesh=_mesh,
    out_type=jax.ShapeDtypeStruct((B, D), jnp.float32),
    scratch_types=[
        pltpu.VMEM((BPW,), jnp.int32),
        pltpu.VMEM((BPW,), jnp.int32),
        pltpu.VMEM((BPW, D), jnp.float32),
        pltpu.SemaphoreType.DMA,
    ],
    compiler_params=pltpu.CompilerParams(use_tc_tiling_on_sc=False),
)
def _row_select(idx_hbm, scratch_hbm, out_hbm, idx_v, row_v, rows_v, sem):
    wid = lax.axis_index("s") * NC + lax.axis_index("c")
    base = wid * BPW
    pltpu.sync_copy(idx_hbm.at[pl.ds(base, BPW)], idx_v)

    def row_body(g, pos_vec):
        row_v[pl.ds(g * 16, 16)] = pos_vec * 16 + lax.bitwise_and(
            idx_v[pl.ds(g * 16, 16)], 15)
        return pos_vec + 16

    lax.fori_loop(0, BPW // 16, row_body,
                  lax.iota(jnp.int32, 16) + base)

    pltpu.async_copy(scratch_hbm.at[row_v], rows_v, sem).wait()
    pltpu.sync_copy(rows_v, out_hbm.at[pl.ds(base, BPW)])


def kernel(img_ids, codebook):
    idx = img_ids.astype(jnp.int32)
    blocks = _block_gather(idx, codebook.reshape(62500, 8, 2 * D))
    return _row_select(idx, blocks.reshape(B * 16, D))

# --- scband reference (transcript-rebuilt; emitter-appended) ---
"""Pipeline reference for scband-codebook-img-encoder-39685497815994 (READ-ONLY COPY).

The authoritative reference and input builder live on the scoring server;
editing this copy changes nothing except your own understanding.
"""

import jax, jax.numpy as jnp
import numpy as np

NUM_IMAGES = 1000000
OUTPUT_SIZE = 64
BATCH = 16384

def setup_inputs(seed: int = 0) -> dict:
    key = jax.random.key(seed)
    k_idx, k_tab = jax.random.split(key)
    img_ids = jax.random.randint(k_idx, (BATCH,), 0, NUM_IMAGES, dtype=jnp.int64 if jax.config.jax_enable_x64 else jnp.int32)
    codebook = jax.random.normal(k_tab, (NUM_IMAGES, OUTPUT_SIZE), dtype=jnp.float32)
    return {"img_ids": img_ids, "codebook": codebook}

def reference(img_ids, codebook):
    # CodebookImgEncoder.forward: embedding lookup (max_norm=None -> plain gather)
    return jnp.take(codebook, img_ids, axis=0)

if __name__ == "__main__":
    import jax
    _d = setup_inputs()
    print(jax.jit(kernel)(*tuple(_d.values())))

</pallas_src>

<mosaic_0001>
#map = affine_map<(d0, d1) -> (0)>
#map1 = affine_map<(d0, d1) -> (0, 0)>
module attributes {stable_mosaic.version = 14 : i64} {
  func.func @_row_select(%arg0: i32, %arg1: i32, %arg2: memref<16384xi32, #tpu.memory_space<hbm>>, %arg3: memref<262144x64xf32, #tpu.memory_space<hbm>>, %arg4: memref<16384x64xf32, #tpu.memory_space<hbm>>, %arg5: memref<512xi32, #tpu.memory_space<vmem>>, %arg6: memref<512xi32, #tpu.memory_space<vmem>>, %arg7: memref<512x64xf32, #tpu.memory_space<vmem>>, %arg8: memref<!tpu.dma_semaphore, #tpu.memory_space<semaphore_mem>>) attributes {dimension_semantics = [#tpu.dimension_semantics<core_parallel>, #tpu.dimension_semantics<subcore_parallel>], iteration_bounds = array<i64: 2, 16>, scalar_prefetch = 0 : i64, scratch_operands = 4 : i64, tpu.core_type = #tpu.core_type<sc_vector_subcore>, window_params = [{transform_indices = #map}, {transform_indices = #map1}, {transform_indices = #map1}]} {
    %mul3A = arith.constant 2 : i32
    %mul3A_0 = arith.muli %arg1, %mul3A : i32
    %add3A = arith.addi %mul3A_0, %arg0 : i32
    %mul3A_1 = arith.constant 512 : i32
    %mul3A_2 = arith.muli %add3A, %mul3A_1 : i32
    "tpu.region"() ({
      %run_scoped3A = tpu.sem_alloc : memref<!tpu.dma_semaphore, #tpu.memory_space<semaphore_mem>>
      %dma_start3A_14 = tpu.memref_slice %arg2[%mul3A_2] : memref<16384xi32, #tpu.memory_space<hbm>> -> memref<512xi32, #tpu.memory_space<hbm>>
      %dma_start3A_15 = tpu.memref_slice %arg2[%mul3A_2] : memref<16384xi32, #tpu.memory_space<hbm>> -> memref<512xi32, #tpu.memory_space<hbm>>
      tpu.enqueue_dma source(%dma_start3A_15 : memref<512xi32, #tpu.memory_space<hbm>>) target(%arg5 : memref<512xi32, #tpu.memory_space<vmem>>) target_semaphore(%run_scoped3A : memref<!tpu.dma_semaphore, #tpu.memory_space<semaphore_mem>>)
      %dma_wait3A_16 = tpu.memref_slice %arg2[%mul3A_2] : memref<16384xi32, #tpu.memory_space<hbm>> -> memref<512xi32, #tpu.memory_space<hbm>>
      %dma_wait3A_17 = tpu.memref_slice %arg2[%mul3A_2] : memref<16384xi32, #tpu.memory_space<hbm>> -> memref<512xi32, #tpu.memory_space<hbm>>
      tpu.wait_dma2 semaphore(%run_scoped3A : memref<!tpu.dma_semaphore, #tpu.memory_space<semaphore_mem>>) src(%dma_wait3A_17 : memref<512xi32, #tpu.memory_space<hbm>>) dst(%arg5 : memref<512xi32, #tpu.memory_space<vmem>>)
      tpu.yield
    }) : () -> ()
    %iota3A = tpu.iota {dimensions = array<i32: 0>} : vector<16xi32>
    %add3A_3 = vector.broadcast %mul3A_2 : i32 to vector<16xi32>
    %add3A_4 = arith.addi %iota3A, %add3A_3 : vector<16xi32>
    %scan3A = arith.constant 0 : i32
    %scan3A_5 = arith.constant 32 : i32
    %scan3A_6 = arith.addi %scan3A, %scan3A_5 : i32
    %scan3A_7 = arith.constant 1 : i32
    %scan3A_8 = scf.for %scan3A_14 = %scan3A to %scan3A_6 step %scan3A_7 iter_args(%scan3A_15 = %add3A_4) -> (vector<16xi32>)  : i32 {
      %mul3A_16 = arith.constant 16 : i32
      %mul3A_17 = vector.broadcast %mul3A_16 : i32 to vector<16xi32>
      %mul3A_18 = arith.muli %scan3A_15, %mul3A_17 : vector<16xi32>
      %mul3A_19 = arith.constant 16 : i32
      %mul3A_20 = arith.muli %scan3A_14, %mul3A_19 : i32
      %get3A = arith.index_cast %mul3A_20 : i32 to index
      %get3A_21 = tpu.vector_load %arg5[%get3A] {strides = array<i32>} : memref<512xi32, #tpu.memory_space<vmem>>, vector<16xi32>,
      %get3A_22 = vector.shape_cast %get3A_21 : vector<16xi32> to vector<16xi32>
      %and3A = arith.constant 15 : i32
      %and3A_23 = vector.broadcast %and3A : i32 to vector<16xi32>
      %and3A_24 = arith.andi %get3A_22, %and3A_23 : vector<16xi32>
      %add3A_25 = arith.addi %mul3A_18, %and3A_24 : vector<16xi32>
      %mul3A_26 = arith.constant 16 : i32
      %mul3A_27 = arith.muli %scan3A_14, %mul3A_26 : i32
      %swap3A = arith.index_cast %mul3A_27 : i32 to index
      %swap3A_28 = tpu.vector_load %arg6[%swap3A] {strides = array<i32>} : memref<512xi32, #tpu.memory_space<vmem>>, vector<16xi32>,
      %swap3A_29 = vector.shape_cast %swap3A_28 : vector<16xi32> to vector<16xi32>
      %swap3A_30 = vector.shape_cast %add3A_25 : vector<16xi32> to vector<16xi32>
      tpu.vector_store %arg6[%swap3A], %swap3A_30 {strides = array<i32>} : memref<512xi32, #tpu.memory_space<vmem>>, vector<16xi32>,
      %add3A_31 = arith.constant 16 : i32
      %add3A_32 = vector.broadcast %add3A_31 : i32 to vector<16xi32>
      %add3A_33 = arith.addi %scan3A_15, %add3A_32 : vector<16xi32>
      scf.yield %add3A_33 : vector<16xi32>
    }
    %scan3A_9 = arith.constant 32 : i32
    %dma_start3A = arith.constant 0 : i32
    %dma_start3A_10 = arith.constant 0 : i32
    %dma_start3A_11 = tpu.memref_slice %arg3[%dma_start3A, %dma_start3A_10] : memref<262144x64xf32, #tpu.memory_space<hbm>> -> memref<262144x64xf32, #tpu.memory_space<hbm>>
    tpu.enqueue_indirect_dma source(%dma_start3A_11 : memref<262144x64xf32, #tpu.memory_space<hbm>>) target(%arg7 : memref<512x64xf32, #tpu.memory_space<vmem>>) offsets(%arg6 : memref<512xi32, #tpu.memory_space<vmem>>) semaphore(%arg8 : memref<!tpu.dma_semaphore, #tpu.memory_space<semaphore_mem>>)
    %dma_wait3A = arith.constant 0 : i32
    %dma_wait3A_12 = arith.constant 0 : i32
    %dma_wait3A_13 = tpu.memref_slice %arg3[%dma_wait3A, %dma_wait3A_12] : memref<262144x64xf32, #tpu.memory_space<hbm>> -> memref<262144x64xf32, #tpu.memory_space<hbm>>
    tpu.wait_indirect_dma semaphore(%arg8 : memref<!tpu.dma_semaphore, #tpu.memory_space<semaphore_mem>>) src(%dma_wait3A_13 : memref<262144x64xf32, #tpu.memory_space<hbm>>) dst(%arg7 : memref<512x64xf32, #tpu.memory_space<vmem>>)
    "tpu.region"() ({
      %run_scoped3A = tpu.sem_alloc : memref<!tpu.dma_semaphore, #tpu.memory_space<semaphore_mem>>
      %dma_start3A_14 = arith.constant 0 : i32
      %dma_start3A_15 = tpu.memref_slice %arg4[%mul3A_2, %dma_start3A_14] : memref<16384x64xf32, #tpu.memory_space<hbm>> -> memref<512x64xf32, #tpu.memory_space<hbm>>
      %dma_start3A_16 = arith.constant 0 : i32
      %dma_start3A_17 = tpu.memref_slice %arg4[%mul3A_2, %dma_start3A_16] : memref<16384x64xf32, #tpu.memory_space<hbm>> -> memref<512x64xf32, #tpu.memory_space<hbm>>
      tpu.enqueue_dma source(%arg7 : memref<512x64xf32, #tpu.memory_space<vmem>>) target(%dma_start3A_17 : memref<512x64xf32, #tpu.memory_space<hbm>>) target_semaphore(%run_scoped3A : memref<!tpu.dma_semaphore, #tpu.memory_space<semaphore_mem>>)
      %dma_wait3A_18 = arith.constant 0 : i32
      %dma_wait3A_19 = tpu.memref_slice %arg4[%mul3A_2, %dma_wait3A_18] : memref<16384x64xf32, #tpu.memory_space<hbm>> -> memref<512x64xf32, #tpu.memory_space<hbm>>
      %dma_wait3A_20 = arith.constant 0 : i32
      %dma_wait3A_21 = tpu.memref_slice %arg4[%mul3A_2, %dma_wait3A_20] : memref<16384x64xf32, #tpu.memory_space<hbm>> -> memref<512x64xf32, #tpu.memory_space<hbm>>
      tpu.wait_dma2 semaphore(%run_scoped3A : memref<!tpu.dma_semaphore, #tpu.memory_space<semaphore_mem>>) src(%arg7 : memref<512x64xf32, #tpu.memory_space<vmem>>) dst(%dma_wait3A_21 : memref<512x64xf32, #tpu.memory_space<hbm>>)
      tpu.yield
    }) : () -> ()
    return
  }
}

#map = affine_map<(d0, d1) -> (0)>
#map1 = affine_map<(d0, d1) -> (0, 0, 0)>
module attributes {stable_mosaic.version = 14 : i64} {
  func.func @_block_gather(%arg0: i32, %arg1: i32, %arg2: memref<16384xi32, #tpu.memory_space<hbm>>, %arg3: memref<62500x8x128xf32, #tpu.memory_space<hbm>>, %arg4: memref<16384x8x128xf32, #tpu.memory_space<hbm>>, %arg5: memref<512xi32, #tpu.memory_space<vmem>>, %arg6: memref<512xi32, #tpu.memory_space<vmem>>, %arg7: memref<64x8x128xf32, #tpu.memory_space<vmem>>, %arg8: memref<!tpu.dma_semaphore, #tpu.memory_space<semaphore_mem>>) attributes {dimension_semantics = [#tpu.dimension_semantics<core_parallel>, #tpu.dimension_semantics<subcore_parallel>], iteration_bounds = array<i64: 2, 16>, scalar_prefetch = 0 : i64, scratch_operands = 4 : i64, tpu.core_type = #tpu.core_type<sc_vector_subcore>, window_params = [{transform_indices = #map}, {transform_indices = #map1}, {transform_indices = #map1}]} {
    %mul3A = arith.constant 2 : i32
    %mul3A_0 = arith.muli %arg1, %mul3A : i32
    %add3A = arith.addi %mul3A_0, %arg0 : i32
    %mul3A_1 = arith.constant 512 : i32
    %mul3A_2 = arith.muli %add3A, %mul3A_1 : i32
    "tpu.region"() ({
      %run_scoped3A = tpu.sem_alloc : memref<!tpu.dma_semaphore, #tpu.memory_space<semaphore_mem>>
      %dma_start3A_118 = tpu.memref_slice %arg2[%mul3A_2] : memref<16384xi32, #tpu.memory_space<hbm>> -> memref<512xi32, #tpu.memory_space<hbm>>
      %dma_start3A_119 = tpu.memref_slice %arg2[%mul3A_2] : memref<16384xi32, #tpu.memory_space<hbm>> -> memref<512xi32, #tpu.memory_space<hbm>>
      tpu.enqueue_dma source(%dma_start3A_119 : memref<512xi32, #tpu.memory_space<hbm>>) target(%arg5 : memref<512xi32, #tpu.memory_space<vmem>>) target_semaphore(%run_scoped3A : memref<!tpu.dma_semaphore, #tpu.memory_space<semaphore_mem>>)
      %dma_wait3A_120 = tpu.memref_slice %arg2[%mul3A_2] : memref<16384xi32, #tpu.memory_space<hbm>> -> memref<512xi32, #tpu.memory_space<hbm>>
      %dma_wait3A_121 = tpu.memref_slice %arg2[%mul3A_2] : memref<16384xi32, #tpu.memory_space<hbm>> -> memref<512xi32, #tpu.memory_space<hbm>>
      tpu.wait_dma2 semaphore(%run_scoped3A : memref<!tpu.dma_semaphore, #tpu.memory_space<semaphore_mem>>) src(%dma_wait3A_121 : memref<512xi32, #tpu.memory_space<hbm>>) dst(%arg5 : memref<512xi32, #tpu.memory_space<vmem>>)
      tpu.yield
    }) : () -> ()
    %scan3A = arith.constant 0 : i32
    %scan3A_3 = arith.constant 0 : i32
    %scan3A_4 = arith.constant 32 : i32
    %scan3A_5 = arith.addi %scan3A_3, %scan3A_4 : i32
    %scan3A_6 = arith.constant 1 : i32
    scf.for %scan3A_118 = %scan3A_3 to %scan3A_5 step %scan3A_6  : i32 {
      %mul3A_119 = arith.constant 16 : i32
      %mul3A_120 = arith.muli %scan3A_118, %mul3A_119 : i32
      %get3A = arith.index_cast %mul3A_120 : i32 to index
      %get3A_121 = tpu.vector_load %arg5[%get3A] {strides = array<i32>} : memref<512xi32, #tpu.memory_space<vmem>>, vector<16xi32>,
      %get3A_122 = vector.shape_cast %get3A_121 : vector<16xi32> to vector<16xi32>
      %shift_right_logical3A = arith.constant 4 : i32
      %shift_right_logical3A_123 = vector.broadcast %shift_right_logical3A : i32 to vector<16xi32>
      %shift_right_logical3A_124 = arith.shrui %get3A_122, %shift_right_logical3A_123 : vector<16xi32>
      %mul3A_125 = arith.constant 16 : i32
      %mul3A_126 = arith.muli %scan3A_118, %mul3A_125 : i32
      %swap3A = arith.index_cast %mul3A_126 : i32 to index
      %swap3A_127 = tpu.vector_load %arg6[%swap3A] {strides = array<i32>} : memref<512xi32, #tpu.memory_space<vmem>>, vector<16xi32>,
      %swap3A_128 = vector.shape_cast %swap3A_127 : vector<16xi32> to vector<16xi32>
      %swap3A_129 = vector.shape_cast %shift_right_logical3A_124 : vector<16xi32> to vector<16xi32>
      tpu.vector_store %arg6[%swap3A], %swap3A_129 {strides = array<i32>} : memref<512xi32, #tpu.memory_space<vmem>>, vector<16xi32>,
    }
    %scan3A_7 = arith.constant 32 : i32
    %dma_start3A = arith.constant 0 : i32
    %dma_start3A_8 = tpu.memref_slice %arg6[%dma_start3A] : memref<512xi32, #tpu.memory_space<vmem>> -> memref<64xi32, #tpu.memory_space<vmem>>
    %dma_start3A_9 = arith.constant 0 : i32
    %dma_start3A_10 = arith.constant 0 : i32
    %dma_start3A_11 = arith.constant 0 : i32
    %dma_start3A_12 = tpu.memref_slice %arg3[%dma_start3A_9, %dma_start3A_10, %dma_start3A_11] : memref<62500x8x128xf32, #tpu.memory_space<hbm>> -> memref<62500x8x128xf32, #tpu.memory_space<hbm>>
    tpu.enqueue_indirect_dma source(%dma_start3A_12 : memref<62500x8x128xf32, #tpu.memory_space<hbm>>) target(%arg7 : memref<64x8x128xf32, #tpu.memory_space<vmem>>) offsets(%dma_start3A_8 : memref<64xi32, #tpu.memory_space<vmem>>) semaphore(%arg8 : memref<!tpu.dma_semaphore, #tpu.memory_space<semaphore_mem>>)
    %dma_wait3A = arith.constant 0 : i32
    %dma_wait3A_13 = tpu.memref_slice %arg6[%dma_wait3A] : memref<512xi32, #tpu.memory_space<vmem>> -> memref<64xi32, #tpu.memory_space<vmem>>
    %dma_wait3A_14 = arith.constant 0 : i32
    %dma_wait3A_15 = arith.constant 0 : i32
    %dma_wait3A_16 = arith.constant 0 : i32
    %dma_wait3A_17 = tpu.memref_slice %arg3[%dma_wait3A_14, %dma_wait3A_15, %dma_wait3A_16] : memref<62500x8x128xf32, #tpu.memory_space<hbm>> -> memref<62500x8x128xf32, #tpu.memory_space<hbm>>
    tpu.wait_indirect_dma semaphore(%arg8 : memref<!tpu.dma_semaphore, #tpu.memory_space<semaphore_mem>>) src(%dma_wait3A_17 : memref<62500x8x128xf32, #tpu.memory_space<hbm>>) dst(%arg7 : memref<64x8x128xf32, #tpu.memory_space<vmem>>)
    %add3A_18 = arith.constant 0 : i32
    %add3A_19 = arith.addi %mul3A_2, %add3A_18 : i32
    "tpu.region"() ({
      %run_scoped3A = tpu.sem_alloc : memref<!tpu.dma_semaphore, #tpu.memory_space<semaphore_mem>>
      %dma_start3A_118 = arith.constant 0 : i32
      %dma_start3A_119 = arith.constant 0 : i32
      %dma_start3A_120 = tpu.memref_slice %arg4[%add3A_19, %dma_start3A_118, %dma_start3A_119] : memref<16384x8x128xf32, #tpu.memory_space<hbm>> -> memref<64x8x128xf32, #tpu.memory_space<hbm>>
      %dma_start3A_121 = arith.constant 0 : i32
      %dma_start3A_122 = arith.constant 0 : i32
      %dma_start3A_123 = tpu.memref_slice %arg4[%add3A_19, %dma_start3A_121, %dma_start3A_122] : memref<16384x8x128xf32, #tpu.memory_space<hbm>> -> memref<64x8x128xf32, #tpu.memory_space<hbm>>
      tpu.enqueue_dma source(%arg7 : memref<64x8x128xf32, #tpu.memory_space<vmem>>) target(%dma_start3A_123 : memref<64x8x128xf32, #tpu.memory_space<hbm>>) target_semaphore(%run_scoped3A : memref<!tpu.dma_semaphore, #tpu.memory_space<semaphore_mem>>)
      %dma_wait3A_124 = arith.constant 0 : i32
      %dma_wait3A_125 = arith.constant 0 : i32
      %dma_wait3A_126 = tpu.memref_slice %arg4[%add3A_19, %dma_wait3A_124, %dma_wait3A_125] : memref<16384x8x128xf32, #tpu.memory_space<hbm>> -> memref<64x8x128xf32, #tpu.memory_space<hbm>>
      %dma_wait3A_127 = arith.constant 0 : i32
      %dma_wait3A_128 = arith.constant 0 : i32
      %dma_wait3A_129 = tpu.memref_slice %arg4[%add3A_19, %dma_wait3A_127, %dma_wait3A_128] : memref<16384x8x128xf32, #tpu.memory_space<hbm>> -> memref<64x8x128xf32, #tpu.memory_space<hbm>>
      tpu.wait_dma2 semaphore(%run_scoped3A : memref<!tpu.dma_semaphore, #tpu.memory_space<semaphore_mem>>) src(%arg7 : memref<64x8x128xf32, #tpu.memory_space<vmem>>) dst(%dma_wait3A_129 : memref<64x8x128xf32, #tpu.memory_space<hbm>>)
      tpu.yield
    }) : () -> ()
    %dma_start3A_20 = arith.constant 64 : i32
    %dma_start3A_21 = tpu.memref_slice %arg6[%dma_start3A_20] : memref<512xi32, #tpu.memory_space<vmem>> -> memref<64xi32, #tpu.memory_space<vmem>>
    %dma_start3A_22 = arith.constant 0 : i32
    %dma_start3A_23 = arith.constant 0 : i32
    %dma_start3A_24 = arith.constant 0 : i32
    %dma_start3A_25 = tpu.memref_slice %arg3[%dma_start3A_22, %dma_start3A_23, %dma_start3A_24] : memref<62500x8x128xf32, #tpu.memory_space<hbm>> -> memref<62500x8x128xf32, #tpu.memory_space<hbm>>
    tpu.enqueue_indirect_dma source(%dma_start3A_25 : memref<62500x8x128xf32, #tpu.memory_space<hbm>>) target(%arg7 : memref<64x8x128xf32, #tpu.memory_space<vmem>>) offsets(%dma_start3A_21 : memref<64xi32, #tpu.memory_space<vmem>>) semaphore(%arg8 : memref<!tpu.dma_semaphore, #tpu.memory_space<semaphore_mem>>)
    %dma_wait3A_26 = arith.constant 64 : i32
    %dma_wait3A_27 = tpu.memref_slice %arg6[%dma_wait3A_26] : memref<512xi32, #tpu.memory_space<vmem>> -> memref<64xi32, #tpu.memory_space<vmem>>
    %dma_wait3A_28 = arith.constant 0 : i32
    %dma_wait3A_29 = arith.constant 0 : i32
    %dma_wait3A_30 = arith.constant 0 : i32
    %dma_wait3A_31 = tpu.memref_slice %arg3[%dma_wait3A_28, %dma_wait3A_29, %dma_wait3A_30] : memref<62500x8x128xf32, #tpu.memory_space<hbm>> -> memref<62500x8x128xf32, #tpu.memory_space<hbm>>
    tpu.wait_indirect_dma semaphore(%arg8 : memref<!tpu.dma_semaphore, #tpu.memory_space<semaphore_mem>>) src(%dma_wait3A_31 : memref<62500x8x128xf32, #tpu.memory_space<hbm>>) dst(%arg7 : memref<64x8x128xf32, #tpu.memory_space<vmem>>)
    %add3A_32 = arith.constant 64 : i32
    %add3A_33 = arith.addi %mul3A_2, %add3A_32 : i32
    "tpu.region"() ({
      %run_scoped3A = tpu.sem_alloc : memref<!tpu.dma_semaphore, #tpu.memory_space<semaphore_mem>>
      %dma_start3A_118 = arith.constant 0 : i32
      %dma_start3A_119 = arith.constant 0 : i32
      %dma_start3A_120 = tpu.memref_slice %arg4[%add3A_33, %dma_start3A_118, %dma_start3A_119] : memref<16384x8x128xf32, #tpu.memory_space<hbm>> -> memref<64x8x128xf32, #tpu.memory_space<hbm>>
      %dma_start3A_121 = arith.constant 0 : i32
      %dma_start3A_122 = arith.constant 0 : i32
      %dma_start3A_123 = tpu.memref_slice %arg4[%add3A_33, %dma_start3A_121, %dma_start3A_122] : memref<16384x8x128xf32, #tpu.memory_space<hbm>> -> memref<64x8x128xf32, #tpu.memory_space<hbm>>
      tpu.enqueue_dma source(%arg7 : memref<64x8x128xf32, #tpu.memory_space<vmem>>) target(%dma_start3A_123 : memref<64x8x128xf32, #tpu.memory_space<hbm>>) target_semaphore(%run_scoped3A : memref<!tpu.dma_semaphore, #tpu.memory_space<semaphore_mem>>)
      %dma_wait3A_124 = arith.constant 0 : i32
      %dma_wait3A_125 = arith.constant 0 : i32
      %dma_wait3A_126 = tpu.memref_slice %arg4[%add3A_33, %dma_wait3A_124, %dma_wait3A_125] : memref<16384x8x128xf32, #tpu.memory_space<hbm>> -> memref<64x8x128xf32, #tpu.memory_space<hbm>>
      %dma_wait3A_127 = arith.constant 0 : i32
      %dma_wait3A_128 = arith.constant 0 : i32
      %dma_wait3A_129 = tpu.memref_slice %arg4[%add3A_33, %dma_wait3A_127, %dma_wait3A_128] : memref<16384x8x128xf32, #tpu.memory_space<hbm>> -> memref<64x8x128xf32, #tpu.memory_space<hbm>>
      tpu.wait_dma2 semaphore(%run_scoped3A : memref<!tpu.dma_semaphore, #tpu.memory_space<semaphore_mem>>) src(%arg7 : memref<64x8x128xf32, #tpu.memory_space<vmem>>) dst(%dma_wait3A_129 : memref<64x8x128xf32, #tpu.memory_space<hbm>>)
      tpu.yield
    }) : () -> ()
    %dma_start3A_34 = arith.constant 128 : i32
    %dma_start3A_35 = tpu.memref_slice %arg6[%dma_start3A_34] : memref<512xi32, #tpu.memory_space<vmem>> -> memref<64xi32, #tpu.memory_space<vmem>>
    %dma_start3A_36 = arith.constant 0 : i32
    %dma_start3A_37 = arith.constant 0 : i32
    %dma_start3A_38 = arith.constant 0 : i32
    %dma_start3A_39 = tpu.memref_slice %arg3[%dma_start3A_36, %dma_start3A_37, %dma_start3A_38] : memref<62500x8x128xf32, #tpu.memory_space<hbm>> -> memref<62500x8x128xf32, #tpu.memory_space<hbm>>
    tpu.enqueue_indirect_dma source(%dma_start3A_39 : memref<62500x8x128xf32, #tpu.memory_space<hbm>>) target(%arg7 : memref<64x8x128xf32, #tpu.memory_space<vmem>>) offsets(%dma_start3A_35 : memref<64xi32, #tpu.memory_space<vmem>>) semaphore(%arg8 : memref<!tpu.dma_semaphore, #tpu.memory_space<semaphore_mem>>)
    %dma_wait3A_40 = arith.constant 128 : i32
    %dma_wait3A_41 = tpu.memref_slice %arg6[%dma_wait3A_40] : memref<512xi32, #tpu.memory_space<vmem>> -> memref<64xi32, #tpu.memory_space<vmem>>
    %dma_wait3A_42 = arith.constant 0 : i32
    %dma_wait3A_43 = arith.constant 0 : i32
    %dma_wait3A_44 = arith.constant 0 : i32
    %dma_wait3A_45 = tpu.memref_slice %arg3[%dma_wait3A_42, %dma_wait3A_43, %dma_wait3A_44] : memref<62500x8x128xf32, #tpu.memory_space<hbm>> -> memref<62500x8x128xf32, #tpu.memory_space<hbm>>
    tpu.wait_indirect_dma semaphore(%arg8 : memref<!tpu.dma_semaphore, #tpu.memory_space<semaphore_mem>>) src(%dma_wait3A_45 : memref<62500x8x128xf32, #tpu.memory_space<hbm>>) dst(%arg7 : memref<64x8x128xf32, #tpu.memory_space<vmem>>)
    %add3A_46 = arith.constant 128 : i32
    %add3A_47 = arith.addi %mul3A_2, %add3A_46 : i32
    "tpu.region"() ({
      %run_scoped3A = tpu.sem_alloc : memref<!tpu.dma_semaphore, #tpu.memory_space<semaphore_mem>>
      %dma_start3A_118 = arith.constant 0 : i32
      %dma_start3A_119 = arith.constant 0 : i32
      %dma_start3A_120 = tpu.memref_slice %arg4[%add3A_47, %dma_start3A_118, %dma_start3A_119] : memref<16384x8x128xf32, #tpu.memory_space<hbm>> -> memref<64x8x128xf32, #tpu.memory_space<hbm>>
      %dma_start3A_121 = arith.constant 0 : i32
      %dma_start3A_122 = arith.constant 0 : i32
      %dma_start3A_123 = tpu.memref_slice %arg4[%add3A_47, %dma_start3A_121, %dma_start3A_122] : memref<16384x8x128xf32, #tpu.memory_space<hbm>> -> memref<64x8x128xf32, #tpu.memory_space<hbm>>
      tpu.enqueue_dma source(%arg7 : memref<64x8x128xf32, #tpu.memory_space<vmem>>) target(%dma_start3A_123 : memref<64x8x128xf32, #tpu.memory_space<hbm>>) target_semaphore(%run_scoped3A : memref<!tpu.dma_semaphore, #tpu.memory_space<semaphore_mem>>)
      %dma_wait3A_124 = arith.constant 0 : i32
      %dma_wait3A_125 = arith.constant 0 : i32
      %dma_wait3A_126 = tpu.memref_slice %arg4[%add3A_47, %dma_wait3A_124, %dma_wait3A_125] : memref<16384x8x128xf32, #tpu.memory_space<hbm>> -> memref<64x8x128xf32, #tpu.memory_space<hbm>>
      %dma_wait3A_127 = arith.constant 0 : i32
      %dma_wait3A_128 = arith.constant 0 : i32
      %dma_wait3A_129 = tpu.memref_slice %arg4[%add3A_47, %dma_wait3A_127, %dma_wait3A_128] : memref<16384x8x128xf32, #tpu.memory_space<hbm>> -> memref<64x8x128xf32, #tpu.memory_space<hbm>>
      tpu.wait_dma2 semaphore(%run_scoped3A : memref<!tpu.dma_semaphore, #tpu.memory_space<semaphore_mem>>) src(%arg7 : memref<64x8x128xf32, #tpu.memory_space<vmem>>) dst(%dma_wait3A_129 : memref<64x8x128xf32, #tpu.memory_space<hbm>>)
      tpu.yield
    }) : () -> ()
    %dma_start3A_48 = arith.constant 192 : i32
    %dma_start3A_49 = tpu.memref_slice %arg6[%dma_start3A_48] : memref<512xi32, #tpu.memory_space<vmem>> -> memref<64xi32, #tpu.memory_space<vmem>>
    %dma_start3A_50 = arith.constant 0 : i32
    %dma_start3A_51 = arith.constant 0 : i32
    %dma_start3A_52 = arith.constant 0 : i32
    %dma_start3A_53 = tpu.memref_slice %arg3[%dma_start3A_50, %dma_start3A_51, %dma_start3A_52] : memref<62500x8x128xf32, #tpu.memory_space<hbm>> -> memref<62500x8x128xf32, #tpu.memory_space<hbm>>
    tpu.enqueue_indirect_dma source(%dma_start3A_53 : memref<62500x8x128xf32, #tpu.memory_space<hbm>>) target(%arg7 : memref<64x8x128xf32, #tpu.memory_space<vmem>>) offsets(%dma_start3A_49 : memref<64xi32, #tpu.memory_space<vmem>>) semaphore(%arg8 : memref<!tpu.dma_semaphore, #tpu.memory_space<semaphore_mem>>)
    %dma_wait3A_54 = arith.constant 192 : i32
    %dma_wait3A_55 = tpu.memref_slice %arg6[%dma_wait3A_54] : memref<512xi32, #tpu.memory_space<vmem>> -> memref<64xi32, #tpu.memory_space<vmem>>
    %dma_wait3A_56 = arith.constant 0 : i32
    %dma_wait3A_57 = arith.constant 0 : i32
    %dma_wait3A_58 = arith.constant 0 : i32
    %dma_wait3A_59 = tpu.memref_slice %arg3[%dma_wait3A_56, %dma_wait3A_57, %dma_wait3A_58] : memref<62500x8x128xf32, #tpu.memory_space<hbm>> -> memref<62500x8x128xf32, #tpu.memory_space<hbm>>
    tpu.wait_indirect_dma semaphore(%arg8 : memref<!tpu.dma_semaphore, #tpu.memory_space<semaphore_mem>>) src(%dma_wait3A_59 : memref<62500x8x128xf32, #tpu.memory_space<hbm>>) dst(%arg7 : memref<64x8x128xf32, #tpu.memory_space<vmem>>)
    %add3A_60 = arith.constant 192 : i32
    %add3A_61 = arith.addi %mul3A_2, %add3A_60 : i32
    "tpu.region"() ({
      %run_scoped3A = tpu.sem_alloc : memref<!tpu.dma_semaphore, #tpu.memory_space<semaphore_mem>>
      %dma_start3A_118 = arith.constant 0 : i32
      %dma_start3A_119 = arith.constant 0 : i32
      %dma_start3A_120 = tpu.memref_slice %arg4[%add3A_61, %dma_start3A_118, %dma_start3A_119] : memref<16384x8x128xf32, #tpu.memory_space<hbm>> -> memref<64x8x128xf32, #tpu.memory_space<hbm>>
      %dma_start3A_121 = arith.constant 0 : i32
      %dma_start3A_122 = arith.constant 0 : i32
      %dma_start3A_123 = tpu.memref_slice %arg4[%add3A_61, %dma_start3A_121, %dma_start3A_122] : memref<16384x8x128xf32, #tpu.memory_space<hbm>> -> memref<64x8x128xf32, #tpu.memory_space<hbm>>
      tpu.enqueue_dma source(%arg7 : memref<64x8x128xf32, #tpu.memory_space<vmem>>) target(%dma_start3A_123 : memref<64x8x128xf32, #tpu.memory_space<hbm>>) target_semaphore(%run_scoped3A : memref<!tpu.dma_semaphore, #tpu.memory_space<semaphore_mem>>)
      %dma_wait3A_124 = arith.constant 0 : i32
      %dma_wait3A_125 = arith.constant 0 : i32
      %dma_wait3A_126 = tpu.memref_slice %arg4[%add3A_61, %dma_wait3A_124, %dma_wait3A_125] : memref<16384x8x128xf32, #tpu.memory_space<hbm>> -> memref<64x8x128xf32, #tpu.memory_space<hbm>>
      %dma_wait3A_127 = arith.constant 0 : i32
      %dma_wait3A_128 = arith.constant 0 : i32
      %dma_wait3A_129 = tpu.memref_slice %arg4[%add3A_61, %dma_wait3A_127, %dma_wait3A_128] : memref<16384x8x128xf32, #tpu.memory_space<hbm>> -> memref<64x8x128xf32, #tpu.memory_space<hbm>>
      tpu.wait_dma2 semaphore(%run_scoped3A : memref<!tpu.dma_semaphore, #tpu.memory_space<semaphore_mem>>) src(%arg7 : memref<64x8x128xf32, #tpu.memory_space<vmem>>) dst(%dma_wait3A_129 : memref<64x8x128xf32, #tpu.memory_space<hbm>>)
      tpu.yield
    }) : () -> ()
    %dma_start3A_62 = arith.constant 256 : i32
    %dma_start3A_63 = tpu.memref_slice %arg6[%dma_start3A_62] : memref<512xi32, #tpu.memory_space<vmem>> -> memref<64xi32, #tpu.memory_space<vmem>>
    %dma_start3A_64 = arith.constant 0 : i32
    %dma_start3A_65 = arith.constant 0 : i32
    %dma_start3A_66 = arith.constant 0 : i32
    %dma_start3A_67 = tpu.memref_slice %arg3[%dma_start3A_64, %dma_start3A_65, %dma_start3A_66] : memref<62500x8x128xf32, #tpu.memory_space<hbm>> -> memref<62500x8x128xf32, #tpu.memory_space<hbm>>
    tpu.enqueue_indirect_dma source(%dma_start3A_67 : memref<62500x8x128xf32, #tpu.memory_space<hbm>>) target(%arg7 : memref<64x8x128xf32, #tpu.memory_space<vmem>>) offsets(%dma_start3A_63 : memref<64xi32, #tpu.memory_space<vmem>>) semaphore(%arg8 : memref<!tpu.dma_semaphore, #tpu.memory_space<semaphore_mem>>)
    %dma_wait3A_68 = arith.constant 256 : i32
    %dma_wait3A_69 = tpu.memref_slice %arg6[%dma_wait3A_68] : memref<512xi32, #tpu.memory_space<vmem>> -> memref<64xi32, #tpu.memory_space<vmem>>
    %dma_wait3A_70 = arith.constant 0 : i32
    %dma_wait3A_71 = arith.constant 0 : i32
    %dma_wait3A_72 = arith.constant 0 : i32
    %dma_wait3A_73 = tpu.memref_slice %arg3[%dma_wait3A_70, %dma_wait3A_71, %dma_wait3A_72] : memref<62500x8x128xf32, #tpu.memory_space<hbm>> -> memref<62500x8x128xf32, #tpu.memory_space<hbm>>
    tpu.wait_indirect_dma semaphore(%arg8 : memref<!tpu.dma_semaphore, #tpu.memory_space<semaphore_mem>>) src(%dma_wait3A_73 : memref<62500x8x128xf32, #tpu.memory_space<hbm>>) dst(%arg7 : memref<64x8x128xf32, #tpu.memory_space<vmem>>)
    %add3A_74 = arith.constant 256 : i32
    %add3A_75 = arith.addi %mul3A_2, %add3A_74 : i32
    "tpu.region"() ({
      %run_scoped3A = tpu.sem_alloc : memref<!tpu.dma_semaphore, #tpu.memory_space<semaphore_mem>>
      %dma_start3A_118 = arith.constant 0 : i32
      %dma_start3A_119 = arith.constant 0 : i32
      %dma_start3A_120 = tpu.memref_slice %arg4[%add3A_75, %dma_start3A_118, %dma_start3A_119] : memref<16384x8x128xf32, #tpu.memory_space<hbm>> -> memref<64x8x128xf32, #tpu.memory_space<hbm>>
      %dma_start3A_121 = arith.constant 0 : i32
      %dma_start3A_122 = arith.constant 0 : i32
      %dma_start3A_123 = tpu.memref_slice %arg4[%add3A_75, %dma_start3A_121, %dma_start3A_122] : memref<16384x8x128xf32, #tpu.memory_space<hbm>> -> memref<64x8x128xf32, #tpu.memory_space<hbm>>
      tpu.enqueue_dma source(%arg7 : memref<64x8x128xf32, #tpu.memory_space<vmem>>) target(%dma_start3A_123 : memref<64x8x128xf32, #tpu.memory_space<hbm>>) target_semaphore(%run_scoped3A : memref<!tpu.dma_semaphore, #tpu.memory_space<semaphore_mem>>)
      %dma_wait3A_124 = arith.constant 0 : i32
      %dma_wait3A_125 = arith.constant 0 : i32
      %dma_wait3A_126 = tpu.memref_slice %arg4[%add3A_75, %dma_wait3A_124, %dma_wait3A_125] : memref<16384x8x128xf32, #tpu.memory_space<hbm>> -> memref<64x8x128xf32, #tpu.memory_space<hbm>>
      %dma_wait3A_127 = arith.constant 0 : i32
      %dma_wait3A_128 = arith.constant 0 : i32
      %dma_wait3A_129 = tpu.memref_slice %arg4[%add3A_75, %dma_wait3A_127, %dma_wait3A_128] : memref<16384x8x128xf32, #tpu.memory_space<hbm>> -> memref<64x8x128xf32, #tpu.memory_space<hbm>>
      tpu.wait_dma2 semaphore(%run_scoped3A : memref<!tpu.dma_semaphore, #tpu.memory_space<semaphore_mem>>) src(%arg7 : memref<64x8x128xf32, #tpu.memory_space<vmem>>) dst(%dma_wait3A_129 : memref<64x8x128xf32, #tpu.memory_space<hbm>>)
      tpu.yield
    }) : () -> ()
    %dma_start3A_76 = arith.constant 320 : i32
    %dma_start3A_77 = tpu.memref_slice %arg6[%dma_start3A_76] : memref<512xi32, #tpu.memory_space<vmem>> -> memref<64xi32, #tpu.memory_space<vmem>>
    %dma_start3A_78 = arith.constant 0 : i32
    %dma_start3A_79 = arith.constant 0 : i32
    %dma_start3A_80 = arith.constant 0 : i32
    %dma_start3A_81 = tpu.memref_slice %arg3[%dma_start3A_78, %dma_start3A_79, %dma_start3A_80] : memref<62500x8x128xf32, #tpu.memory_space<hbm>> -> memref<62500x8x128xf32, #tpu.memory_space<hbm>>
    tpu.enqueue_indirect_dma source(%dma_start3A_81 : memref<62500x8x128xf32, #tpu.memory_space<hbm>>) target(%arg7 : memref<64x8x128xf32, #tpu.memory_space<vmem>>) offsets(%dma_start3A_77 : memref<64xi32, #tpu.memory_space<vmem>>) semaphore(%arg8 : memref<!tpu.dma_semaphore, #tpu.memory_space<semaphore_mem>>)
    %dma_wait3A_82 = arith.constant 320 : i32
    %dma_wait3A_83 = tpu.memref_slice %arg6[%dma_wait3A_82] : memref<512xi32, #tpu.memory_space<vmem>> -> memref<64xi32, #tpu.memory_space<vmem>>
    %dma_wait3A_84 = arith.constant 0 : i32
    %dma_wait3A_85 = arith.constant 0 : i32
    %dma_wait3A_86 = arith.constant 0 : i32
    %dma_wait3A_87 = tpu.memref_slice %arg3[%dma_wait3A_84, %dma_wait3A_85, %dma_wait3A_86] : memref<62500x8x128xf32, #tpu.memory_space<hbm>> -> memref<62500x8x128xf32, #tpu.memory_space<hbm>>
    tpu.wait_indirect_dma semaphore(%arg8 : memref<!tpu.dma_semaphore, #tpu.memory_space<semaphore_mem>>) src(%dma_wait3A_87 : memref<62500x8x128xf32, #tpu.memory_space<hbm>>) dst(%arg7 : memref<64x8x128xf32, #tpu.memory_space<vmem>>)
    %add3A_88 = arith.constant 320 : i32
    %add3A_89 = arith.addi %mul3A_2, %add3A_88 : i32
    "tpu.region"() ({
      %run_scoped3A = tpu.sem_alloc : memref<!tpu.dma_semaphore, #tpu.memory_space<semaphore_mem>>
      %dma_start3A_118 = arith.constant 0 : i32
      %dma_start3A_119 = arith.constant 0 : i32
      %dma_start3A_120 = tpu.memref_slice %arg4[%add3A_89, %dma_start3A_118, %dma_start3A_119] : memref<16384x8x128xf32, #tpu.memory_space<hbm>> -> memref<64x8x128xf32, #tpu.memory_space<hbm>>
      %dma_start3A_121 = arith.constant 0 : i32
      %dma_start3A_122 = arith.constant 0 : i32
      %dma_start3A_123 = tpu.memref_slice %arg4[%add3A_89, %dma_start3A_121, %dma_start3A_122] : memref<16384x8x128xf32, #tpu.memory_space<hbm>> -> memref<64x8x128xf32, #tpu.memory_space<hbm>>
      tpu.enqueue_dma source(%arg7 : memref<64x8x128xf32, #tpu.memory_space<vmem>>) target(%dma_start3A_123 : memref<64x8x128xf32, #tpu.memory_space<hbm>>) target_semaphore(%run_scoped3A : memref<!tpu.dma_semaphore, #tpu.memory_space<semaphore_mem>>)
      %dma_wait3A_124 = arith.constant 0 : i32
      %dma_wait3A_125 = arith.constant 0 : i32
      %dma_wait3A_126 = tpu.memref_slice %arg4[%add3A_89, %dma_wait3A_124, %dma_wait3A_125] : memref<16384x8x128xf32, #tpu.memory_space<hbm>> -> memref<64x8x128xf32, #tpu.memory_space<hbm>>
      %dma_wait3A_127 = arith.constant 0 : i32
      %dma_wait3A_128 = arith.constant 0 : i32
      %dma_wait3A_129 = tpu.memref_slice %arg4[%add3A_89, %dma_wait3A_127, %dma_wait3A_128] : memref<16384x8x128xf32, #tpu.memory_space<hbm>> -> memref<64x8x128xf32, #tpu.memory_space<hbm>>
      tpu.wait_dma2 semaphore(%run_scoped3A : memref<!tpu.dma_semaphore, #tpu.memory_space<semaphore_mem>>) src(%arg7 : memref<64x8x128xf32, #tpu.memory_space<vmem>>) dst(%dma_wait3A_129 : memref<64x8x128xf32, #tpu.memory_space<hbm>>)
      tpu.yield
    }) : () -> ()
    %dma_start3A_90 = arith.constant 384 : i32
    %dma_start3A_91 = tpu.memref_slice %arg6[%dma_start3A_90] : memref<512xi32, #tpu.memory_space<vmem>> -> memref<64xi32, #tpu.memory_space<vmem>>
    %dma_start3A_92 = arith.constant 0 : i32
    %dma_start3A_93 = arith.constant 0 : i32
    %dma_start3A_94 = arith.constant 0 : i32
    %dma_start3A_95 = tpu.memref_slice %arg3[%dma_start3A_92, %dma_start3A_93, %dma_start3A_94] : memref<62500x8x128xf32, #tpu.memory_space<hbm>> -> memref<62500x8x128xf32, #tpu.memory_space<hbm>>
    tpu.enqueue_indirect_dma source(%dma_start3A_95 : memref<62500x8x128xf32, #tpu.memory_space<hbm>>) target(%arg7 : memref<64x8x128xf32, #tpu.memory_space<vmem>>) offsets(%dma_start3A_91 : memref<64xi32, #tpu.memory_space<vmem>>) semaphore(%arg8 : memref<!tpu.dma_semaphore, #tpu.memory_space<semaphore_mem>>)
    %dma_wait3A_96 = arith.constant 384 : i32
    %dma_wait3A_97 = tpu.memref_slice %arg6[%dma_wait3A_96] : memref<512xi32, #tpu.memory_space<vmem>> -> memref<64xi32, #tpu.memory_space<vmem>>
    %dma_wait3A_98 = arith.constant 0 : i32
    %dma_wait3A_99 = arith.constant 0 : i32
    %dma_wait3A_100 = arith.constant 0 : i32
    %dma_wait3A_101 = tpu.memref_slice %arg3[%dma_wait3A_98, %dma_wait3A_99, %dma_wait3A_100] : memref<62500x8x128xf32, #tpu.memory_space<hbm>> -> memref<62500x8x128xf32, #tpu.memory_space<hbm>>
    tpu.wait_indirect_dma semaphore(%arg8 : memref<!tpu.dma_semaphore, #tpu.memory_space<semaphore_mem>>) src(%dma_wait3A_101 : memref<62500x8x128xf32, #tpu.memory_space<hbm>>) dst(%arg7 : memref<64x8x128xf32, #tpu.memory_space<vmem>>)
    %add3A_102 = arith.constant 384 : i32
    %add3A_103 = arith.addi %mul3A_2, %add3A_102 : i32
    "tpu.region"() ({
      %run_scoped3A = tpu.sem_alloc : memref<!tpu.dma_semaphore, #tpu.memory_space<semaphore_mem>>
      %dma_start3A_118 = arith.constant 0 : i32
      %dma_start3A_119 = arith.constant 0 : i32
      %dma_start3A_120 = tpu.memref_slice %arg4[%add3A_103, %dma_start3A_118, %dma_start3A_119] : memref<16384x8x128xf32, #tpu.memory_space<hbm>> -> memref<64x8x128xf32, #tpu.memory_space<hbm>>
      %dma_start3A_121 = arith.constant 0 : i32
      %dma_start3A_122 = arith.constant 0 : i32
      %dma_start3A_123 = tpu.memref_slice %arg4[%add3A_103, %dma_start3A_121, %dma_start3A_122] : memref<16384x8x128xf32, #tpu.memory_space<hbm>> -> memref<64x8x128xf32, #tpu.memory_space<hbm>>
      tpu.enqueue_dma source(%arg7 : memref<64x8x128xf32, #tpu.memory_space<vmem>>) target(%dma_start3A_123 : memref<64x8x128xf32, #tpu.memory_space<hbm>>) target_semaphore(%run_scoped3A : memref<!tpu.dma_semaphore, #tpu.memory_space<semaphore_mem>>)
      %dma_wait3A_124 = arith.constant 0 : i32
      %dma_wait3A_125 = arith.constant 0 : i32
      %dma_wait3A_126 = tpu.memref_slice %arg4[%add3A_103, %dma_wait3A_124, %dma_wait3A_125] : memref<16384x8x128xf32, #tpu.memory_space<hbm>> -> memref<64x8x128xf32, #tpu.memory_space<hbm>>
      %dma_wait3A_127 = arith.constant 0 : i32
      %dma_wait3A_128 = arith.constant 0 : i32
      %dma_wait3A_129 = tpu.memref_slice %arg4[%add3A_103, %dma_wait3A_127, %dma_wait3A_128] : memref<16384x8x128xf32, #tpu.memory_space<hbm>> -> memref<64x8x128xf32, #tpu.memory_space<hbm>>
      tpu.wait_dma2 semaphore(%run_scoped3A : memref<!tpu.dma_semaphore, #tpu.memory_space<semaphore_mem>>) src(%arg7 : memref<64x8x128xf32, #tpu.memory_space<vmem>>) dst(%dma_wait3A_129 : memref<64x8x128xf32, #tpu.memory_space<hbm>>)
      tpu.yield
    }) : () -> ()
    %dma_start3A_104 = arith.constant 448 : i32
    %dma_start3A_105 = tpu.memref_slice %arg6[%dma_start3A_104] : memref<512xi32, #tpu.memory_space<vmem>> -> memref<64xi32, #tpu.memory_space<vmem>>
    %dma_start3A_106 = arith.constant 0 : i32
    %dma_start3A_107 = arith.constant 0 : i32
    %dma_start3A_108 = arith.constant 0 : i32
    %dma_start3A_109 = tpu.memref_slice %arg3[%dma_start3A_106, %dma_start3A_107, %dma_start3A_108] : memref<62500x8x128xf32, #tpu.memory_space<hbm>> -> memref<62500x8x128xf32, #tpu.memory_space<hbm>>
    tpu.enqueue_indirect_dma source(%dma_start3A_109 : memref<62500x8x128xf32, #tpu.memory_space<hbm>>) target(%arg7 : memref<64x8x128xf32, #tpu.memory_space<vmem>>) offsets(%dma_start3A_105 : memref<64xi32, #tpu.memory_space<vmem>>) semaphore(%arg8 : memref<!tpu.dma_semaphore, #tpu.memory_space<semaphore_mem>>)
    %dma_wait3A_110 = arith.constant 448 : i32
    %dma_wait3A_111 = tpu.memref_slice %arg6[%dma_wait3A_110] : memref<512xi32, #tpu.memory_space<vmem>> -> memref<64xi32, #tpu.memory_space<vmem>>
    %dma_wait3A_112 = arith.constant 0 : i32
    %dma_wait3A_113 = arith.constant 0 : i32
    %dma_wait3A_114 = arith.constant 0 : i32
    %dma_wait3A_115 = tpu.memref_slice %arg3[%dma_wait3A_112, %dma_wait3A_113, %dma_wait3A_114] : memref<62500x8x128xf32, #tpu.memory_space<hbm>> -> memref<62500x8x128xf32, #tpu.memory_space<hbm>>
    tpu.wait_indirect_dma semaphore(%arg8 : memref<!tpu.dma_semaphore, #tpu.memory_space<semaphore_mem>>) src(%dma_wait3A_115 : memref<62500x8x128xf32, #tpu.memory_space<hbm>>) dst(%arg7 : memref<64x8x128xf32, #tpu.memory_space<vmem>>)
    %add3A_116 = arith.constant 448 : i32
    %add3A_117 = arith.addi %mul3A_2, %add3A_116 : i32
    "tpu.region"() ({
      %run_scoped3A = tpu.sem_alloc : memref<!tpu.dma_semaphore, #tpu.memory_space<semaphore_mem>>
      %dma_start3A_118 = arith.constant 0 : i32
      %dma_start3A_119 = arith.constant 0 : i32
      %dma_start3A_120 = tpu.memref_slice %arg4[%add3A_117, %dma_start3A_118, %dma_start3A_119] : memref<16384x8x128xf32, #tpu.memory_space<hbm>> -> memref<64x8x128xf32, #tpu.memory_space<hbm>>
      %dma_start3A_121 = arith.constant 0 : i32
      %dma_start3A_122 = arith.constant 0 : i32
      %dma_start3A_123 = tpu.memref_slice %arg4[%add3A_117, %dma_start3A_121, %dma_start3A_122] : memref<16384x8x128xf32, #tpu.memory_space<hbm>> -> memref<64x8x128xf32, #tpu.memory_space<hbm>>
      tpu.enqueue_dma source(%arg7 : memref<64x8x128xf32, #tpu.memory_space<vmem>>) target(%dma_start3A_123 : memref<64x8x128xf32, #tpu.memory_space<hbm>>) target_semaphore(%run_scoped3A : memref<!tpu.dma_semaphore, #tpu.memory_space<semaphore_mem>>)
      %dma_wait3A_124 = arith.constant 0 : i32
      %dma_wait3A_125 = arith.constant 0 : i32
      %dma_wait3A_126 = tpu.memref_slice %arg4[%add3A_117, %dma_wait3A_124, %dma_wait3A_125] : memref<16384x8x128xf32, #tpu.memory_space<hbm>> -> memref<64x8x128xf32, #tpu.memory_space<hbm>>
      %dma_wait3A_127 = arith.constant 0 : i32
      %dma_wait3A_128 = arith.constant 0 : i32
      %dma_wait3A_129 = tpu.memref_slice %arg4[%add3A_117, %dma_wait3A_127, %dma_wait3A_128] : memref<16384x8x128xf32, #tpu.memory_space<hbm>> -> memref<64x8x128xf32, #tpu.memory_space<hbm>>
      tpu.wait_dma2 semaphore(%run_scoped3A : memref<!tpu.dma_semaphore, #tpu.memory_space<semaphore_mem>>) src(%arg7 : memref<64x8x128xf32, #tpu.memory_space<vmem>>) dst(%dma_wait3A_129 : memref<64x8x128xf32, #tpu.memory_space<hbm>>)
      tpu.yield
    }) : () -> ()
    return
  }
}

</mosaic_0001>

<sc_bundles>
// kernel: kernel.4.cloned.1.call-start
scs
__scs_entry_jumppad:
0x0: {  	(pc) =	sbr.rel $0x88, $3  }
0x1: {  	(tag) =	ssettag $0x0;
	lr =	simm.s32 $0x1  }
0x2: {  	[smem:$0x3F9F] =	sst lr;
	_ =	strace $0xD0000000  }
0x3: {  	_ = 	snop  }
0x4: {  	_ = 	snop  }
0x5: {  	_ = 	snop  }
0x6: {  	_ = 	snop  }
0x7: {  	_ = 	snop  }
__scs_overlays_trampoline_lowered:
0x8: {  	[smem:$0x3FAE] =	sst s0  }
0x9: {  	[smem:$0x3FAF] =	sst s1  }
0xa: {  	[smem:$0x3FB0] =	sst s2  }
0xb: {  	[smem:$0x3FB1] =	sst s3  }
0xc: {  	[smem:$0x3FB2] =	sst s4  }
0xd: {  	[smem:$0x3FB3] =	sst s5  }
0xe: {  	[smem:$0x3FB4] =	sst s6  }
0xf: {  	[smem:$0x3FB5] =	sst s7  }
0x10: {  	[smem:$0x3FB6] =	sst s8  }
0x11: {  	[smem:$0x3FB7] =	sst s9;
	s0 =	simm.s32 @!p0 $0x0  }
0x12: {  	s1 =	sld [smem:$0x3F9D];
	s0 =	simm.s32 @p0 $0x1  }
0x13: {  	[smem:$0x3FB8] =	sst s0;
	s0 =	simm.s32 @!p1 $0x0  }
0x14: {  	s2 =	sld [smem:$0x3F9C];
	s0 =	simm.s32 @p1 $0x1  }
0x15: {  	[smem:$0x3FB9] =	sst s0;
	s0 =	simm.s32 @!p2 $0x0  }
0x16: {  	s3 =	sld [smem:$0x3FDB];
	s0 =	simm.s32 @p2 $0x1  }
0x17: {  	s4 =	simm.s32 $0x1BF5;
	[smem:$0x3FBB] =	sst s0  }
0x18: {  	s0 =	sld [smem:$0x3F9E];
	_ =	swait.ge [sflag:s4], $0x0  }
0x19: {  	s7 =	sld [smem:$0x3F9F]  }
0x1a: {  	s8 =	sadd.s32 $0xFFFFE003, lr  }
0x1b: {  	s9 =	sadd.s32 $0xFFFFFEF7, lr;
	s5 =	simm.s32 $0xFFFFFFFF;
	p2 =	slt.u32 s8, $0xFFFFF086  }
0x1c: {  	p1 =	slt.u32 s9, $0xF7A;
	s5 =	simm.s32 @!p2 $0x0  }
0x1d: {  	s5 =	simm.s32 @p1 $0x1;
	p0 =	seq.s32 s7, s2  }
0x1e: {  	s7 =	smul.u32 @!p0 $0xF7A, s2;
	p2 =	seq.s32 @!p0 s5, $0x0  }
0x1f: {  	s9 =	smul.u32 $0xF7A, s1;
	s8 =	simm.s32 @!p0 $0x1BF5;
	p2 =	por !p2, p0  }
0x20: {  	[sflag:s8] =	ssyncset.s32 @!p0 $0xFFFFF086;
	s6 =	sadd.s32 @!p0 s3, s7;
	s7 =	simm.s32 @!p0 $0x108  }
0x21: {  	s3 =	sadd.s32 s3, s9;
	s6 =	sadd.s32 @!p0 $0x88, s6;
	s7 =	simm.s32 @p2 $0x1082  }
0x22: {  	[simem:s7], [sflag:s8] =	dma.local @!p0 [hbm:s6], $0xF7A  }
0x23: {  	s9 =	sor.u32 $0xD0000000, s2;
	s6 =	simm.s32 $0x108;
	_ =	swait.ge @!p0 [sflag:s8], $0x0  }
0x24: {  	s3 =	sadd.s32 $0x88, s3;
	s6 =	simm.s32 @!p1 $0x1082;
	[sflag:s4] =	ssyncset.s32 $0xFFFFF086  }
0x25: {  	[simem:s6], [sflag:s4] =	dma.local [hbm:s3], $0xF7A  }
0x26: {  	[smem:$0x3F9F] =	sst s1;
	(tag) =	ssettag s2;
	_ =	strace s9  }
0x27: {  	s1 =	sld [smem:$0x3FAF]  }
0x28: {  	s2 =	sld [smem:$0x3FB0]  }
0x29: {  	s4 =	sld [smem:$0x3FB2]  }
0x2a: {  	p0 =	seq.s32 s5, $0x0;
	s5 =	sld [smem:$0x3FB3]  }
0x2b: {  	s6 =	sld [smem:$0x3FB4]  }
0x2c: {  	s7 =	sld [smem:$0x3FB5]  }
0x2d: {  	s3 =	simm.s32 $0x108;
	s8 =	sld [smem:$0x3FB6]  }
0x2e: {  	s3 =	simm.s32 @!p0 $0x1082;
	s9 =	sld [smem:$0x3FB7]  }
0x2f: {  	lr =	sadd.s32 s0, s3;
	s0 =	sld [smem:$0x3FAE]  }
0x30: {  	s3 =	sld [smem:$0x3FB1]  }
0x31: {  	[smem:$0x3FBA] =	sst s10  }
0x32: {  	s10 =	sld [smem:$0x3FB8];
	_ =	sdelay $0x3  }
0x33: {  	p0 =	seq.s32 s10, $0x1;
	s10 =	sld [smem:$0x3FBA];
	_ =	sdelay $0x3  }
0x34: {  	[smem:$0x3FBA] =	sst s10  }
0x35: {  	s10 =	sld [smem:$0x3FB9];
	_ =	sdelay $0x3  }
0x36: {  	p1 =	seq.s32 s10, $0x1;
	s10 =	sld [smem:$0x3FBA];
	_ =	sdelay $0x3  }
0x37: {  	[smem:$0x3FBA] =	sst s10  }
0x38: {  	s10 =	sld [smem:$0x3FBB]  }
0x39: {  	_ = 	snop;
	(pc) =	sbr.ind lr, $3  }
0x3a: {  	_ = 	snop  }
0x3b: {  	_ = 	snop  }
0x3c: {  	p2 =	seq.s32 s10, $0x1;
	s10 =	sld [smem:$0x3FBA]  }
0x3d: {  	_ =	shalt  }
0x3e: {  	_ =	shalt  }
0x3f: {  	_ =	shalt  }
0x40: {  	_ =	shalt  }
0x41: {  	_ =	shalt  }
0x42: {  	_ =	shalt  }
0x43: {  	_ =	shalt  }
0x44: {  	_ =	shalt  }
0x45: {  	_ =	shalt  }
0x46: {  	_ =	shalt  }
0x47: {  	_ =	shalt  }
0x48: {  	_ =	shalt  }
0x49: {  	_ =	shalt  }
0x4a: {  	_ =	shalt  }
0x4b: {  	_ =	shalt  }
0x4c: {  	_ =	shalt  }
0x4d: {  	_ =	shalt  }
0x4e: {  	_ =	shalt  }
0x4f: {  	_ =	shalt  }
0x50: {  	_ =	shalt  }
0x51: {  	_ =	shalt  }
0x52: {  	_ =	shalt  }
0x53: {  	_ =	shalt  }
0x54: {  	_ =	shalt  }
0x55: {  	_ =	shalt  }
0x56: {  	_ =	shalt  }
0x57: {  	_ =	shalt  }
0x58: {  	_ =	shalt  }
0x59: {  	_ =	shalt  }
0x5a: {  	_ =	shalt  }
0x5b: {  	_ =	shalt  }
0x5c: {  	_ =	shalt  }
0x5d: {  	_ =	shalt  }
0x5e: {  	_ =	shalt  }
0x5f: {  	_ =	shalt  }
0x60: {  	_ =	shalt  }
0x61: {  	_ =	shalt  }
0x62: {  	_ =	shalt  }
0x63: {  	_ =	shalt  }
0x64: {  	_ =	shalt  }
0x65: {  	_ =	shalt  }
0x66: {  	_ =	shalt  }
0x67: {  	_ =	shalt  }
0x68: {  	_ =	shalt  }
0x69: {  	_ =	shalt  }
0x6a: {  	_ =	shalt  }
0x6b: {  	_ =	shalt  }
0x6c: {  	_ =	shalt  }
0x6d: {  	_ =	shalt  }
0x6e: {  	_ =	shalt  }
0x6f: {  	_ =	shalt  }
0x70: {  	_ =	shalt  }
0x71: {  	_ =	shalt  }
0x72: {  	_ =	shalt  }
0x73: {  	_ =	shalt  }
0x74: {  	_ =	shalt  }
0x75: {  	_ =	shalt  }
0x76: {  	_ =	shalt  }
0x77: {  	_ =	shalt  }
0x78: {  	_ =	shalt  }
0x79: {  	_ =	shalt  }
0x7a: {  	_ =	shalt  }
0x7b: {  	_ =	shalt  }
0x7c: {  	_ =	shalt  }
0x7d: {  	_ =	shalt  }
0x7e: {  	_ =	shalt  }
0x7f: {  	_ =	shalt  }
0x80: {  	_ =	shalt  }
0x81: {  	_ =	shalt  }
0x82: {  	_ =	shalt  }
0x83: {  	_ =	shalt  }
0x84: {  	_ =	shalt  }
0x85: {  	_ =	shalt  }
0x86: {  	_ =	shalt  }
0x87: {  	_ =	shalt  }
.Lfunc_end0:
.L_simem_size_0:
called_computation_lowered:
.L_overlay_start_0:
0x88: {  	s2 =	sld [smem:$0x3FD9]  }
0x89: {  	s3 =	sld [smem:$0x3FFE];
	_ =	sdelay $0x1  }
0x8a: {  	s1 =	srdreg.scid  }
0x8b: {  	s0 =	sand.u32 $0x1, s1  }
0x8c: {  	s17 =	sshll.u32 s0, $0xA;
	s2 =	sadd.s32 s3, s2  }
0x8d: {  	s2 =	sadd.s32 s2, s17  }
0x8e: {  	[smem:$0x3FC6] =	sst s2  }
0x8f: {  	_ = 	snop  }
0x90: {  	s2 =	sld [smem:$0x3FC9];
	(tm) =	ssettm $0x1  }
0x91: {  	s18 =	sld [smem:$0x3FFB];
	_ =	sdelay $0x3  }
0x92: {  	_ =	strace s18  }
0x93: {  	s3 =	sld [smem:$0x3FFC];
	_ =	sdelay $0x3  }
0x94: {  	_ =	strace s3  }
0x95: {  	s3 =	sld [smem:$0x3FFD];
	_ =	sdelay $0x3  }
0x96: {  	_ =	strace s3  }
0x97: {  	_ =	strace $0x8FFFFFFF  }
0x98: {  	s19 =	sld [smem:$0x3FDB];
	_ =	sdelay $0x1  }
0x99: {  	s4 =	simm.s32 $_scs_section_size  }
0x9a: {  	s5 =	simm.s32 $_size__tile_overlayer_lowered;
	s6 =	simm.s32 $_tile_overlayer_lowered  }
0x9b: {  	s22 =	simm.s32 $0x1BFF;
	s21 =	sshll.u32 s6, $0x1;
	s3 =	sadd.s32 s4, s19  }
0x9c: {  	s7 =	simm.s32 $0x0;
	s20 =	sshll.u32 s5, $0x1;
	s5 =	sadd.s32 s21, s3  }
0x9d: {  	[timem:s7], [sflag:s22] =	dma.local [hbm:s5], s20  }
0x9e: {  	_ =	swait.ge [sflag:s22], s20  }
0x9f: {  	s4 =	ssub.s32 $0x0, s20;
	[sflag:s22] =	ssyncset.done $0x0  }
0xa0: {  	[sflag:s22] =	ssyncadd.s32 s4;
	_ =	sdelay $0x1  }
0xa1: {  	s23 =	simm.s32 $0x1B8B  }
0xa2: {  	_ =	swait.ge [sflag:s23], $0x1  }
0xa3: {  	[sflag:s23] =	ssyncset.done $0x0  }
0xa4: {  	s25 =	simm.s32 $0x1B8E;
	s24 =	sld [smem:$0x3FFE];
	[sflag:s23] =	ssyncadd.s32 $0xFFFFFFFF  }
0xa5: {  	s26 =	simm.s32 $execute0_lowered;
	[smem:$0x3FD2] =	sst s25  }
0xa6: {  	s5 =	sshll.u32 s26, $0x1;
	_ =	strace $0x80000046;
	[dreg:$0x1] =	wrdreg $0xFFFFFFFF  }
0xa7: {  	s28 =	simm.s32 $_size_execute0_lowered;
	s3 =	sadd.s32 s3, s5;
	[dreg:$0x0] =	wrdreg $0x0  }
0xa8: {  	s5 =	sshll.u32 s28, $0x1;
	[dreg:$0x2] =	wrdreg s3  }
0xa9: {  	[dreg:$0x3] =	wrdreg s5  }
0xaa: {  	[dreg:$0x4] =	wrdreg $0xC0  }
0xab: {  	_ =	task [dreg:s7], $0x5FFFF  }
0xac: {  	[dreg:$0x1] =	wrdreg $0xFFFFFFFF  }
0xad: {  	[dreg:$0x0] =	wrdreg $0x60  }
0xae: {  	[dreg:$0x2] =	wrdreg s2  }
0xaf: {  	[dreg:$0x3] =	wrdreg s24  }
0xb0: {  	[dreg:$0x4] =	wrdreg $0x9  }
0xb1: {  	_ =	task.clear_ibuf [dreg:s7], $0x5FFFF;
	_ =	strace $0x90000046  }
0xb2: {  	s29 =	simm.s32 $0x9;
	_ =	strace $0x80000048  }
0xb3: {  	_ =	swait.ge [sflag:s29], $0x1  }
0xb4: {  	[sflag:s29] =	ssyncadd.s32 $0xFFFFFFFF  }
0xb5: {  	_ =	strace $0x90000048  }
0xb6: {  	_ =	sfence  }
0xb7: {  	s30 =	sld [smem:$0x0];
	_ =	sdelay $0x2  }
0xb8: {  	s31 =	sshll.u32 s1, $0xD;
	s1 =	sshrl.u32 s1, $0x2  }
0xb9: {  	s3 =	sand.u32 $0x4000, s31;
	s1 =	sadd.s32 s1, s30  }
0xba: {  	s0 =	sor.u32 s3, s0;
	s1 =	sshll.u32 s1, $0x11  }
0xbb: {  	s0 =	sor.u32 s1, s0  }
0xbc: {  	s0 =	sadd.s32 $0x8F2B, s0  }
0xbd: {  	[sflag:s0] =	ssyncadd.remote.s32 $0x1  }
0xbe: {  	_ =	sfence.sel $0xFFFF  }
0xbf: {  	[dreg:$0x0] =	wrdreg $0xFFFFFFFF;
	(pc) =	sbr.abs _section_cstart, $3  }
0xc0: {  	[dreg:$0x1] =	wrdreg $0xFFFFFFFF  }
0xc1: {  	_ =	task.clear_ibuf [dreg:s7], $0x2FFFF;
	_ =	strace $0x9FFFFFFF  }
0xc2: {  	(tm) =	ssettm $0x7FFFFFFF  }
0xc3: {  	_ =	shalt  }
tec
execute0_lowered:
.L_overlay_start_1:
0x0: {  	(tag) =	ssettag $0x1  }
0x1: {  	s4 =	rddreg [dreg:$0x0]  }
0x2: {  	s5 =	rddreg [dreg:$0x1]  }
0x3: {  	s0 =	rddreg [dreg:$0x2]  }
0x4: {  	s3 =	srdreg.scid;
	s2 =	simm.s32 $0x0;
	s1 =	stileid.u32  }
0x5: {  	s14 =	simm.s32 $0x2;
	s15 =	simm.s32 $0x40;
	s16 =	simm.s32 $0x200  }
0x6: {  	s17 =	simm.s32 $0x400;
	s18 =	simm.s32 $0x1;
	s19 =	simm.s32 $0x240  }
0x7: {  	s20 =	simm.s32 $0x280;
	s21 =	simm.s32 $0x2C0;
	s22 =	simm.s32 $0x300  }
0x8: {  	s23 =	simm.s32 $0x340;
	s24 =	simm.s32 $0x380;
	s25 =	simm.s32 $0x3C0  }
0x9: {  	s26 =	simm.s32 $0x0;
	s6 =	sand.u32 $0x1, s3;
	[smem:$0x7FF] =	sst s2  }
0xa: {  	s30 =	sshll.u32 s1, $0xA;
	s3 =	sadd.s32 $0xF42C00, s5;
	s7 =	sshll.u32 s6, $0x9  }
0xb: {  	_ =	strace $0x80000047;
	s6 =	ssub.s32 $0x2, s6;
	s7 =	sor.u32 s7, s30  }
0xc: {  	s31 =	sshrl.u32 s6, $0x1;
	s8 =	sshll.u32 s7, $0x7;
	s7 =	sshrl.u32 s7, $0x3  }
0xd: {  	s13 =	ssub.s32 s6, s31;
	s12 =	sadd.s32 s8, s5;
	s4 =	sadd.s32 s4, s7  }
0xe: {  	s13 =	smax.u32 s13, $0x1;
	s5 =	sadd.s32 $0x800, s12;
	s6 =	sadd.s32 $0x2800, s12  }
0xf: {  	s7 =	sadd.s32 $0x4800, s12;
	s8 =	sadd.s32 $0x6800, s12;
	s9 =	sadd.s32 $0x8800, s12  }
0x10: {  	s10 =	sadd.s32 $0xA800, s12;
	s11 =	sadd.s32 $0xC800, s12;
	s12 =	sadd.s32 $0xE800, s12  }
.LBB2_1:
0x11: {  	[tilespmem:s2], [sflag:$0x2] =	stream.linear.gather [hbm4b:s4+s2], $0x200, $0x38;
	[tilespmem:$0x10400] =	vst v63  }
0x12: {  	_ =	swait.ge [sflag:s14], $0x200  }
0x13: {  	[sflag:s14] =	ssyncset.done $0x0  }
0x14: {  	s28 =	simm.s32 $0x0;
	[sflag:s14] =	ssyncadd.s32 $0xFFFFFE00  }
0x15: {  	s29 =	simm.s32 $0x40;
	v0 =	vld [tilespmem:s28+$0x0]  }
.LBB2_2:
0x16: {  	p0 =	sne.s32 s29, $0x7C0  }
.Ltmp0:
0x17: {  	_ = 	snop;
	(pc) =	sbr.rel @p0 .LBB2_2-.Ltmp0, $3  }
0x18: {  	_ =	sdelay $0x1  }
0x19: {  	s30 =	sshra.s32 s29, $0x2;
	s29 =	sadd.s32 $0x40, s29;
	v1 =	vshrl.u32 v0, $0x4  }
0x1a: {  	v0 =	vld [tilespmem:s30+$0x0];
	[tilespmem:s28+$0x200] =	vst v1;
	s28 =	smov.u32 s30  }
0x1b: {  	_ =	sdelay $0x3  }
0x1c: {  	v0 =	vshrl.u32 v0, $0x4  }
0x1d: {  	[tilespmem:s28+$0x200] =	vst v0  }
0x1e: {  	[tilespmem:s17], [sflag:$0x1] =	stream.indirect.gather [hbm4b:s3+s15], $0x400, s16, s15, $0xb8;
	[tilespmem:$0x10400] =	vst v63  }
0x1f: {  	_ =	swait.ge [sflag:s18], $0x10000  }
0x20: {  	[sflag:s18] =	ssyncset.done $0x0  }
0x21: {  	[sflag:s18] =	ssyncadd.s32 $0xFFFF0000  }
0x22: {  	[hbm4b:s5+s2] =	stream.linear.scatter [tilespmem:s17], [sflag:$0x2], $0x10000, $0x38;
	[tilespmem:$0x10400] =	vst v63  }
0x23: {  	_ =	swait.ge [sflag:s14], $0x10000  }
0x24: {  	[sflag:s14] =	ssyncset.done $0x0  }
0x25: {  	[sflag:s14] =	ssyncadd.s32 $0xFFFF0000  }
0x26: {  	[tilespmem:s17], [sflag:$0x1] =	stream.indirect.gather [hbm4b:s3+s15], $0x400, s19, s15, $0xb8;
	[tilespmem:$0x10400] =	vst v63  }
0x27: {  	_ =	swait.ge [sflag:s18], $0x10000  }
0x28: {  	[sflag:s18] =	ssyncset.done $0x0  }
0x29: {  	[sflag:s18] =	ssyncadd.s32 $0xFFFF0000  }
0x2a: {  	[hbm4b:s6+s2] =	stream.linear.scatter [tilespmem:s17], [sflag:$0x2], $0x10000, $0x38;
	[tilespmem:$0x10400] =	vst v63  }
0x2b: {  	_ =	swait.ge [sflag:s14], $0x10000  }
0x2c: {  	[sflag:s14] =	ssyncset.done $0x0  }
0x2d: {  	[sflag:s14] =	ssyncadd.s32 $0xFFFF0000  }
0x2e: {  	[tilespmem:s17], [sflag:$0x1] =	stream.indirect.gather [hbm4b:s3+s15], $0x400, s20, s15, $0xb8;
	[tilespmem:$0x10400] =	vst v63  }
0x2f: {  	_ =	swait.ge [sflag:s18], $0x10000  }
0x30: {  	[sflag:s18] =	ssyncset.done $0x0  }
0x31: {  	[sflag:s18] =	ssyncadd.s32 $0xFFFF0000  }
0x32: {  	[hbm4b:s7+s2] =	stream.linear.scatter [tilespmem:s17], [sflag:$0x2], $0x10000, $0x38;
	[tilespmem:$0x10400] =	vst v63  }
0x33: {  	_ =	swait.ge [sflag:s14], $0x10000  }
0x34: {  	[sflag:s14] =	ssyncset.done $0x0  }
0x35: {  	[sflag:s14] =	ssyncadd.s32 $0xFFFF0000  }
0x36: {  	[tilespmem:s17], [sflag:$0x1] =	stream.indirect.gather [hbm4b:s3+s15], $0x400, s21, s15, $0xb8;
	[tilespmem:$0x10400] =	vst v63  }
0x37: {  	_ =	swait.ge [sflag:s18], $0x10000  }
0x38: {  	[sflag:s18] =	ssyncset.done $0x0  }
0x39: {  	[sflag:s18] =	ssyncadd.s32 $0xFFFF0000  }
0x3a: {  	[hbm4b:s8+s2] =	stream.linear.scatter [tilespmem:s17], [sflag:$0x2], $0x10000, $0x38;
	[tilespmem:$0x10400] =	vst v63  }
0x3b: {  	_ =	swait.ge [sflag:s14], $0x10000  }
0x3c: {  	[sflag:s14] =	ssyncset.done $0x0  }
0x3d: {  	[sflag:s14] =	ssyncadd.s32 $0xFFFF0000  }
0x3e: {  	[tilespmem:s17], [sflag:$0x1] =	stream.indirect.gather [hbm4b:s3+s15], $0x400, s22, s15, $0xb8;
	[tilespmem:$0x10400] =	vst v63  }
0x3f: {  	_ =	swait.ge [sflag:s18], $0x10000  }
0x40: {  	[sflag:s18] =	ssyncset.done $0x0  }
0x41: {  	[sflag:s18] =	ssyncadd.s32 $0xFFFF0000  }
0x42: {  	[hbm4b:s9+s2] =	stream.linear.scatter [tilespmem:s17], [sflag:$0x2], $0x10000, $0x38;
	[tilespmem:$0x10400] =	vst v63  }
0x43: {  	_ =	swait.ge [sflag:s14], $0x10000  }
0x44: {  	[sflag:s14] =	ssyncset.done $0x0  }
0x45: {  	[sflag:s14] =	ssyncadd.s32 $0xFFFF0000  }
0x46: {  	[tilespmem:s17], [sflag:$0x1] =	stream.indirect.gather [hbm4b:s3+s15], $0x400, s23, s15, $0xb8;
	[tilespmem:$0x10400] =	vst v63  }
0x47: {  	_ =	swait.ge [sflag:s18], $0x10000  }
0x48: {  	[sflag:s18] =	ssyncset.done $0x0  }
0x49: {  	[sflag:s18] =	ssyncadd.s32 $0xFFFF0000  }
0x4a: {  	[hbm4b:s10+s2] =	stream.linear.scatter [tilespmem:s17], [sflag:$0x2], $0x10000, $0x38;
	[tilespmem:$0x10400] =	vst v63  }
0x4b: {  	_ =	swait.ge [sflag:s14], $0x10000  }
0x4c: {  	[sflag:s14] =	ssyncset.done $0x0  }
0x4d: {  	[sflag:s14] =	ssyncadd.s32 $0xFFFF0000  }
0x4e: {  	[tilespmem:s17], [sflag:$0x1] =	stream.indirect.gather [hbm4b:s3+s15], $0x400, s24, s15, $0xb8;
	[tilespmem:$0x10400] =	vst v63  }
0x4f: {  	_ =	swait.ge [sflag:s18], $0x10000  }
0x50: {  	[sflag:s18] =	ssyncset.done $0x0  }
0x51: {  	[sflag:s18] =	ssyncadd.s32 $0xFFFF0000  }
0x52: {  	[hbm4b:s11+s2] =	stream.linear.scatter [tilespmem:s17], [sflag:$0x2], $0x10000, $0x38;
	[tilespmem:$0x10400] =	vst v63  }
0x53: {  	_ =	swait.ge [sflag:s14], $0x10000  }
0x54: {  	[sflag:s14] =	ssyncset.done $0x0  }
0x55: {  	[sflag:s14] =	ssyncadd.s32 $0xFFFF0000  }
0x56: {  	[tilespmem:s17], [sflag:$0x1] =	stream.indirect.gather [hbm4b:s3+s15], $0x400, s25, s15, $0xb8;
	[tilespmem:$0x10400] =	vst v63  }
0x57: {  	s26 =	sadd.s32 $0x1, s26;
	_ =	swait.ge [sflag:s18], $0x10000  }
0x58: {  	p0 =	sne.s32 s26, s13;
	[sflag:s18] =	ssyncset.done $0x0  }
.Ltmp1:
0x59: {  	[sflag:s18] =	ssyncadd.s32 $0xFFFF0000;
	(pc) =	sbr.rel @p0 .LBB2_1-.Ltmp1, $4  }
0x5a: {  	[hbm4b:s12+s2] =	stream.linear.scatter [tilespmem:s17], [sflag:$0x2], $0x10000, $0x38;
	[tilespmem:$0x10400] =	vst v63  }
0x5b: {  	_ =	swait.ge [sflag:s14], $0x10000  }
0x5c: {  	[sflag:s14] =	ssyncset.done $0x0  }
0x5d: {  	[sflag:s14] =	ssyncadd.s32 $0xFFFF0000  }
0x5e: {  	_ =	sfence.sel $0x180000  }
0x5f: {  	[bflag:$0x0] =	sbarrier.arrive $0xFFFF  }
0x60: {  	p0 =	sne.s32 s1, $0x0;
	_ =	strace $0x90000047  }
0x61: {  	s0 =	sadd.s32 @!p0 $0x100000, s0;
	[bflag:$0x2] =	sbarrier.arrive $0xFFFF  }
0x62: {  	[sflag:s0] =	ssyncadd.tile.s32 @!p0 $0x1;
	_ =	shalt  }
.Lfunc_end2:
_tile_overlayer_lowered:
.L_overlay_start_2:
0x63: {  	(tag) =	ssettag $0x2  }
0x64: {  	s0 =	rddreg [dreg:$0x0];
	s2 =	stileid.u32  }
0x65: {  	s1 =	rddreg [dreg:$0x1];
	p0 =	sne.s32 s2, $0x0  }
0x66: {  	s3 =	rddreg [dreg:$0x2];
	[bflag:$0x3] =	sbarrier.arrive $0xFFFF;
	s2 =	simm.s32 @!p0 $0x1C02  }
0x67: {  	[timem:s3], [sflag:s2] =	dma.local @!p0 [hbm:s0], s1  }
0x68: {  	s0 =	simm.s32 @!p0 $0x2  }
0x69: {  	_ =	swait.ge @!p0 [sflag:s0], s1  }
0x6a: {  	s1 =	ssub.s32 @!p0 $0x0, s1;
	[sflag:s0] =	ssyncset.done @!p0 $0x0  }
0x6b: {  	[sflag:s0] =	ssyncadd.s32 @!p0 s1  }
0x6c: {  	[bflag:$0x3] =	sbarrier.arrive $0xFFFF  }
0x6d: {  	_ =	shalt  }

// kernel: kernel.7.cloned.1.call-start
scs
__scs_entry_jumppad:
0x0: {  	(pc) =	sbr.rel $0x88, $3  }
0x1: {  	(tag) =	ssettag $0x0;
	lr =	simm.s32 $0x1  }
0x2: {  	[smem:$0x3F9F] =	sst lr;
	_ =	strace $0xD0000000  }
0x3: {  	_ = 	snop  }
0x4: {  	_ = 	snop  }
0x5: {  	_ = 	snop  }
0x6: {  	_ = 	snop  }
0x7: {  	_ = 	snop  }
__scs_overlays_trampoline_lowered:
0x8: {  	[smem:$0x3FAE] =	sst s0  }
0x9: {  	[smem:$0x3FAF] =	sst s1  }
0xa: {  	[smem:$0x3FB0] =	sst s2  }
0xb: {  	[smem:$0x3FB1] =	sst s3  }
0xc: {  	[smem:$0x3FB2] =	sst s4  }
0xd: {  	[smem:$0x3FB3] =	sst s5  }
0xe: {  	[smem:$0x3FB4] =	sst s6  }
0xf: {  	[smem:$0x3FB5] =	sst s7  }
0x10: {  	[smem:$0x3FB6] =	sst s8  }
0x11: {  	[smem:$0x3FB7] =	sst s9;
	s0 =	simm.s32 @!p0 $0x0  }
0x12: {  	s1 =	sld [smem:$0x3F9D];
	s0 =	simm.s32 @p0 $0x1  }
0x13: {  	[smem:$0x3FB8] =	sst s0;
	s0 =	simm.s32 @!p1 $0x0  }
0x14: {  	s2 =	sld [smem:$0x3F9C];
	s0 =	simm.s32 @p1 $0x1  }
0x15: {  	[smem:$0x3FB9] =	sst s0;
	s0 =	simm.s32 @!p2 $0x0  }
0x16: {  	s3 =	sld [smem:$0x3FDB];
	s0 =	simm.s32 @p2 $0x1  }
0x17: {  	s4 =	simm.s32 $0x1BF5;
	[smem:$0x3FBB] =	sst s0  }
0x18: {  	s0 =	sld [smem:$0x3F9E];
	_ =	swait.ge [sflag:s4], $0x0  }
0x19: {  	s7 =	sld [smem:$0x3F9F]  }
0x1a: {  	s8 =	sadd.s32 $0xFFFFE003, lr  }
0x1b: {  	s9 =	sadd.s32 $0xFFFFFEF7, lr;
	s5 =	simm.s32 $0xFFFFFFFF;
	p2 =	slt.u32 s8, $0xFFFFF086  }
0x1c: {  	p1 =	slt.u32 s9, $0xF7A;
	s5 =	simm.s32 @!p2 $0x0  }
0x1d: {  	s5 =	simm.s32 @p1 $0x1;
	p0 =	seq.s32 s7, s2  }
0x1e: {  	s7 =	smul.u32 @!p0 $0xF7A, s2;
	p2 =	seq.s32 @!p0 s5, $0x0  }
0x1f: {  	s9 =	smul.u32 $0xF7A, s1;
	s8 =	simm.s32 @!p0 $0x1BF5;
	p2 =	por !p2, p0  }
0x20: {  	[sflag:s8] =	ssyncset.s32 @!p0 $0xFFFFF086;
	s6 =	sadd.s32 @!p0 s3, s7;
	s7 =	simm.s32 @!p0 $0x108  }
0x21: {  	s3 =	sadd.s32 s3, s9;
	s6 =	sadd.s32 @!p0 $0x88, s6;
	s7 =	simm.s32 @p2 $0x1082  }
0x22: {  	[simem:s7], [sflag:s8] =	dma.local @!p0 [hbm:s6], $0xF7A  }
0x23: {  	s9 =	sor.u32 $0xD0000000, s2;
	s6 =	simm.s32 $0x108;
	_ =	swait.ge @!p0 [sflag:s8], $0x0  }
0x24: {  	s3 =	sadd.s32 $0x88, s3;
	s6 =	simm.s32 @!p1 $0x1082;
	[sflag:s4] =	ssyncset.s32 $0xFFFFF086  }
0x25: {  	[simem:s6], [sflag:s4] =	dma.local [hbm:s3], $0xF7A  }
0x26: {  	[smem:$0x3F9F] =	sst s1;
	(tag) =	ssettag s2;
	_ =	strace s9  }
0x27: {  	s1 =	sld [smem:$0x3FAF]  }
0x28: {  	s2 =	sld [smem:$0x3FB0]  }
0x29: {  	s4 =	sld [smem:$0x3FB2]  }
0x2a: {  	p0 =	seq.s32 s5, $0x0;
	s5 =	sld [smem:$0x3FB3]  }
0x2b: {  	s6 =	sld [smem:$0x3FB4]  }
0x2c: {  	s7 =	sld [smem:$0x3FB5]  }
0x2d: {  	s3 =	simm.s32 $0x108;
	s8 =	sld [smem:$0x3FB6]  }
0x2e: {  	s3 =	simm.s32 @!p0 $0x1082;
	s9 =	sld [smem:$0x3FB7]  }
0x2f: {  	lr =	sadd.s32 s0, s3;
	s0 =	sld [smem:$0x3FAE]  }
0x30: {  	s3 =	sld [smem:$0x3FB1]  }
0x31: {  	[smem:$0x3FBA] =	sst s10  }
0x32: {  	s10 =	sld [smem:$0x3FB8];
	_ =	sdelay $0x3  }
0x33: {  	p0 =	seq.s32 s10, $0x1;
	s10 =	sld [smem:$0x3FBA];
	_ =	sdelay $0x3  }
0x34: {  	[smem:$0x3FBA] =	sst s10  }
0x35: {  	s10 =	sld [smem:$0x3FB9];
	_ =	sdelay $0x3  }
0x36: {  	p1 =	seq.s32 s10, $0x1;
	s10 =	sld [smem:$0x3FBA];
	_ =	sdelay $0x3  }
0x37: {  	[smem:$0x3FBA] =	sst s10  }
0x38: {  	s10 =	sld [smem:$0x3FBB]  }
0x39: {  	_ = 	snop;
	(pc) =	sbr.ind lr, $3  }
0x3a: {  	_ = 	snop  }
0x3b: {  	_ = 	snop  }
0x3c: {  	p2 =	seq.s32 s10, $0x1;
	s10 =	sld [smem:$0x3FBA]  }
0x3d: {  	_ =	shalt  }
0x3e: {  	_ =	shalt  }
0x3f: {  	_ =	shalt  }
0x40: {  	_ =	shalt  }
0x41: {  	_ =	shalt  }
0x42: {  	_ =	shalt  }
0x43: {  	_ =	shalt  }
0x44: {  	_ =	shalt  }
0x45: {  	_ =	shalt  }
0x46: {  	_ =	shalt  }
0x47: {  	_ =	shalt  }
0x48: {  	_ =	shalt  }
0x49: {  	_ =	shalt  }
0x4a: {  	_ =	shalt  }
0x4b: {  	_ =	shalt  }
0x4c: {  	_ =	shalt  }
0x4d: {  	_ =	shalt  }
0x4e: {  	_ =	shalt  }
0x4f: {  	_ =	shalt  }
0x50: {  	_ =	shalt  }
0x51: {  	_ =	shalt  }
0x52: {  	_ =	shalt  }
0x53: {  	_ =	shalt  }
0x54: {  	_ =	shalt  }
0x55: {  	_ =	shalt  }
0x56: {  	_ =	shalt  }
0x57: {  	_ =	shalt  }
0x58: {  	_ =	shalt  }
0x59: {  	_ =	shalt  }
0x5a: {  	_ =	shalt  }
0x5b: {  	_ =	shalt  }
0x5c: {  	_ =	shalt  }
0x5d: {  	_ =	shalt  }
0x5e: {  	_ =	shalt  }
0x5f: {  	_ =	shalt  }
0x60: {  	_ =	shalt  }
0x61: {  	_ =	shalt  }
0x62: {  	_ =	shalt  }
0x63: {  	_ =	shalt  }
0x64: {  	_ =	shalt  }
0x65: {  	_ =	shalt  }
0x66: {  	_ =	shalt  }
0x67: {  	_ =	shalt  }
0x68: {  	_ =	shalt  }
0x69: {  	_ =	shalt  }
0x6a: {  	_ =	shalt  }
0x6b: {  	_ =	shalt  }
0x6c: {  	_ =	shalt  }
0x6d: {  	_ =	shalt  }
0x6e: {  	_ =	shalt  }
0x6f: {  	_ =	shalt  }
0x70: {  	_ =	shalt  }
0x71: {  	_ =	shalt  }
0x72: {  	_ =	shalt  }
0x73: {  	_ =	shalt  }
0x74: {  	_ =	shalt  }
0x75: {  	_ =	shalt  }
0x76: {  	_ =	shalt  }
0x77: {  	_ =	shalt  }
0x78: {  	_ =	shalt  }
0x79: {  	_ =	shalt  }
0x7a: {  	_ =	shalt  }
0x7b: {  	_ =	shalt  }
0x7c: {  	_ =	shalt  }
0x7d: {  	_ =	shalt  }
0x7e: {  	_ =	shalt  }
0x7f: {  	_ =	shalt  }
0x80: {  	_ =	shalt  }
0x81: {  	_ =	shalt  }
0x82: {  	_ =	shalt  }
0x83: {  	_ =	shalt  }
0x84: {  	_ =	shalt  }
0x85: {  	_ =	shalt  }
0x86: {  	_ =	shalt  }
0x87: {  	_ =	shalt  }
.Lfunc_end0:
.L_simem_size_0:
called_computation.1_lowered:
.L_overlay_start_0:
0x88: {  	s2 =	sld [smem:$0x3FD9]  }
0x89: {  	s3 =	sld [smem:$0x3FFE];
	_ =	sdelay $0x1  }
0x8a: {  	s1 =	srdreg.scid  }
0x8b: {  	s0 =	sand.u32 $0x1, s1  }
0x8c: {  	s17 =	sshll.u32 s0, $0xA;
	s2 =	sadd.s32 s3, s2  }
0x8d: {  	s2 =	sadd.s32 s2, s17  }
0x8e: {  	[smem:$0x3FC6] =	sst s2  }
0x8f: {  	_ = 	snop  }
0x90: {  	s2 =	sld [smem:$0x3FC9]  }
0x91: {  	s18 =	sld [smem:$0x3FD0];
	(tm) =	ssettm $0x1  }
0x92: {  	s4 =	sld [smem:$0x3FFB];
	_ =	sdelay $0x3  }
0x93: {  	_ =	strace s4  }
0x94: {  	s4 =	sld [smem:$0x3FFC];
	_ =	sdelay $0x3  }
0x95: {  	_ =	strace s4  }
0x96: {  	s4 =	sld [smem:$0x3FFD];
	_ =	sdelay $0x3  }
0x97: {  	_ =	strace s4  }
0x98: {  	_ =	strace $0x8FFFFFFF  }
0x99: {  	s19 =	sld [smem:$0x3FDB];
	_ =	sdelay $0x1  }
0x9a: {  	s5 =	simm.s32 $_scs_section_size  }
0x9b: {  	s6 =	simm.s32 $_size__tile_overlayer_lowered;
	s7 =	simm.s32 $_tile_overlayer_lowered  }
0x9c: {  	s22 =	simm.s32 $0x1BFF;
	s21 =	sshll.u32 s7, $0x1;
	s4 =	sadd.s32 s5, s19  }
0x9d: {  	s8 =	simm.s32 $0x0;
	s20 =	sshll.u32 s6, $0x1;
	s6 =	sadd.s32 s21, s4  }
0x9e: {  	[timem:s8], [sflag:s22] =	dma.local [hbm:s6], s20  }
0x9f: {  	_ =	swait.ge [sflag:s22], s20  }
0xa0: {  	s5 =	ssub.s32 $0x0, s20;
	[sflag:s22] =	ssyncset.done $0x0  }
0xa1: {  	[sflag:s22] =	ssyncadd.s32 s5;
	_ =	sdelay $0x1  }
0xa2: {  	s23 =	simm.s32 $0x1B8B  }
0xa3: {  	_ =	swait.ge [sflag:s23], $0x1  }
0xa4: {  	[sflag:s23] =	ssyncset.done $0x0  }
0xa5: {  	s25 =	simm.s32 $0x1B8E;
	s24 =	sld [smem:$0x3FFE];
	[sflag:s23] =	ssyncadd.s32 $0xFFFFFFFF  }
0xa6: {  	s26 =	simm.s32 $execute0_lowered;
	[smem:$0x3FD2] =	sst s25  }
0xa7: {  	s6 =	sshll.u32 s26, $0x1;
	_ =	strace $0x80000049;
	[dreg:$0x1] =	wrdreg $0xFFFFFFFF  }
0xa8: {  	s28 =	simm.s32 $_size_execute0_lowered;
	s4 =	sadd.s32 s4, s6;
	[dreg:$0x0] =	wrdreg $0x0  }
0xa9: {  	s6 =	sshll.u32 s28, $0x1;
	[dreg:$0x2] =	wrdreg s4  }
0xaa: {  	[dreg:$0x3] =	wrdreg s6  }
0xab: {  	[dreg:$0x4] =	wrdreg $0xC0  }
0xac: {  	_ =	task [dreg:s8], $0x5FFFF  }
0xad: {  	[dreg:$0x1] =	wrdreg $0xFFFFFFFF  }
0xae: {  	[dreg:$0x0] =	wrdreg $0x60  }
0xaf: {  	[dreg:$0x2] =	wrdreg s2  }
0xb0: {  	[dreg:$0x3] =	wrdreg s24  }
0xb1: {  	[dreg:$0x4] =	wrdreg s18  }
0xb2: {  	[dreg:$0x5] =	wrdreg $0x9  }
0xb3: {  	_ =	task.clear_ibuf [dreg:s8], $0x6FFFF;
	_ =	strace $0x90000049  }
0xb4: {  	s29 =	simm.s32 $0x9;
	_ =	strace $0x8000004B  }
0xb5: {  	_ =	swait.ge [sflag:s29], $0x1  }
0xb6: {  	[sflag:s29] =	ssyncadd.s32 $0xFFFFFFFF  }
0xb7: {  	_ =	strace $0x9000004B  }
0xb8: {  	_ =	sfence  }
0xb9: {  	s30 =	sld [smem:$0x0];
	_ =	sdelay $0x2  }
0xba: {  	s31 =	sshll.u32 s1, $0xD;
	s1 =	sshrl.u32 s1, $0x2  }
0xbb: {  	s3 =	sand.u32 $0x4000, s31;
	s1 =	sadd.s32 s1, s30  }
0xbc: {  	s0 =	sor.u32 s3, s0;
	s1 =	sshll.u32 s1, $0x11  }
0xbd: {  	s0 =	sor.u32 s1, s0  }
0xbe: {  	s0 =	sadd.s32 $0x8F2B, s0  }
0xbf: {  	[sflag:s0] =	ssyncadd.remote.s32 $0x1  }
0xc0: {  	_ =	sfence.sel $0xFFFF  }
0xc1: {  	[dreg:$0x0] =	wrdreg $0xFFFFFFFF;
	(pc) =	sbr.abs _section_cstart, $3  }
0xc2: {  	[dreg:$0x1] =	wrdreg $0xFFFFFFFF  }
0xc3: {  	_ =	task.clear_ibuf [dreg:s8], $0x2FFFF;
	_ =	strace $0x9FFFFFFF  }
0xc4: {  	(tm) =	ssettm $0x7FFFFFFF  }
0xc5: {  	_ =	shalt  }
tec
execute0_lowered:
.L_overlay_start_1:
0x0: {  	(tag) =	ssettag $0x1  }
0x1: {  	s4 =	rddreg [dreg:$0x0]  }
0x2: {  	s3 =	rddreg [dreg:$0x1]  }
0x3: {  	s5 =	rddreg [dreg:$0x2]  }
0x4: {  	s0 =	rddreg [dreg:$0x3];
	s2 =	simm.s32 $0x0;
	s6 =	srdreg.scid  }
0x5: {  	s1 =	stileid.u32;
	s11 =	simm.s32 $0x0;
	[smem:$0x7FF] =	sst s2  }
0x6: {  	s6 =	sand.u32 $0x1, s6;
	s7 =	sshll.u32 s1, $0xA;
	s3 =	sadd.s32 $0x800, s3  }
0x7: {  	_ =	strace $0x8000004A;
	s8 =	sshll.u32 s6, $0x9;
	s6 =	ssub.s32 $0x2, s6  }
0x8: {  	s9 =	sor.u32 s8, s7;
	s31 =	sshrl.u32 s6, $0x1;
	s7 =	simm.s32 $0x2  }
0x9: {  	v0 =	vlaneseq.u32;
	s8 =	sshrl.u32 s9, $0x3;
	s10 =	sshll.u32 s9, $0x3;
	s6 =	ssub.s32 s6, s31  }
0xa: {  	v0 =	vor.u32 s9, v0;
	s9 =	simm.s32 $0x400;
	s4 =	sadd.s32 s4, s8;
	s5 =	sadd.s32 s5, s10  }
0xb: {  	s6 =	smax.u32 s6, $0x1;
	s8 =	simm.s32 $0x200;
	s10 =	simm.s32 $0x1  }
.LBB2_1:
0xc: {  	[tilespmem:s2], [sflag:$0x2] =	stream.linear.gather [hbm4b:s4+s2], $0x200, $0x38;
	[tilespmem:$0x8400] =	vst v63  }
0xd: {  	_ =	swait.ge [sflag:s7], $0x200  }
0xe: {  	[sflag:s7] =	ssyncset.done $0x0  }
0xf: {  	s12 =	simm.s32 $0x0;
	[sflag:s7] =	ssyncadd.s32 $0xFFFFFE00  }
0x10: {  	v2 =	vld [tilespmem:s12+$0x0];
	_ =	sdelay $0x3  }
0x11: {  	s13 =	simm.s32 $0x40;
	v1 =	vmov v0  }
.LBB2_2:
0x12: {  	s14 =	sshra.s32 s13, $0x2;
	p0 =	sne.s32 s13, $0x7C0;
	s13 =	sadd.s32 $0x40, s13;
	v3 =	vshll.u32 v1, $0x4;
	v4 =	vand.u32 $0xF, v2  }
.Ltmp0:
0x13: {  	v2 =	vld [tilespmem:s14+$0x0];
	v3 =	vor.u32 v3, v4;
	(pc) =	sbr.rel @p0 .LBB2_2-.Ltmp0, $2  }
0x14: {  	[tilespmem:s12+$0x200] =	vst v3;
	s12 =	smov.u32 s14;
	_ =	sdelay $0x2  }
0x15: {  	v1 =	vadd.s32 $0x10, v1  }
0x16: {  	v1 =	vshll.u32 v1, $0x4;
	v2 =	vand.u32 $0xF, v2  }
0x17: {  	v1 =	vor.u32 v1, v2  }
0x18: {  	[tilespmem:s12+$0x200] =	vst v1  }
0x19: {  	[tilespmem:s9], [sflag:$0x1] =	stream.indirect.gather [hbm4b:s3+s8], $0x40, s8, s8, $0xb8;
	[tilespmem:$0x8400] =	vst v63  }
0x1a: {  	s11 =	sadd.s32 $0x1, s11;
	_ =	swait.ge [sflag:s10], $0x8000  }
0x1b: {  	p0 =	sne.s32 s11, s6;
	[sflag:s10] =	ssyncset.done $0x0  }
.Ltmp1:
0x1c: {  	[sflag:s10] =	ssyncadd.s32 $0xFFFF8000;
	(pc) =	sbr.rel @p0 .LBB2_1-.Ltmp1, $4  }
0x1d: {  	[hbm4b:s5+s2] =	stream.linear.scatter [tilespmem:s9], [sflag:$0x2], $0x8000, $0x38;
	[tilespmem:$0x8400] =	vst v63  }
0x1e: {  	_ =	swait.ge [sflag:s7], $0x8000  }
0x1f: {  	[sflag:s7] =	ssyncset.done $0x0  }
0x20: {  	[sflag:s7] =	ssyncadd.s32 $0xFFFF8000  }
0x21: {  	_ =	sfence.sel $0x180000  }
0x22: {  	[bflag:$0x0] =	sbarrier.arrive $0xFFFF  }
0x23: {  	p0 =	sne.s32 s1, $0x0;
	_ =	strace $0x9000004A  }
0x24: {  	s0 =	sadd.s32 @!p0 $0x100000, s0;
	[bflag:$0x2] =	sbarrier.arrive $0xFFFF  }
0x25: {  	[sflag:s0] =	ssyncadd.tile.s32 @!p0 $0x1;
	_ =	shalt  }
.Lfunc_end2:
_tile_overlayer_lowered:
.L_overlay_start_2:
0x26: {  	(tag) =	ssettag $0x2  }
0x27: {  	s0 =	rddreg [dreg:$0x0];
	s2 =	stileid.u32  }
0x28: {  	s1 =	rddreg [dreg:$0x1];
	p0 =	sne.s32 s2, $0x0  }
0x29: {  	s3 =	rddreg [dreg:$0x2];
	[bflag:$0x3] =	sbarrier.arrive $0xFFFF;
	s2 =	simm.s32 @!p0 $0x1C02  }
0x2a: {  	[timem:s3], [sflag:s2] =	dma.local @!p0 [hbm:s0], s1  }
0x2b: {  	s0 =	simm.s32 @!p0 $0x2  }
0x2c: {  	_ =	swait.ge @!p0 [sflag:s0], s1  }
0x2d: {  	s1 =	ssub.s32 @!p0 $0x0, s1;
	[sflag:s0] =	ssyncset.done @!p0 $0x0  }
0x2e: {  	[sflag:s0] =	ssyncadd.s32 @!p0 s1  }
0x2f: {  	[bflag:$0x3] =	sbarrier.arrive $0xFFFF  }
0x30: {  	_ =	shalt  }

</sc_bundles>
